<compile_context>
chip_gen: v7x
topology: tpu7x:2x2x1
jax: 0.10.2.dev20260603
libtpu: 0.0.44.dev20260713+nightly
codegen_flags: <defaults>
</compile_context>

<pallas_src>
import functools

import jax
import jax.numpy as jnp
from jax.experimental import pallas as pl
from jax.experimental.pallas import tpu as pltpu
from jax.experimental.pallas import tpu_sc as plsc

T = 2048
C = 768
H = 4 * C
E = 16
BLK = 128
NBLK = T // BLK + E
NW = 32
TPW = T // NW


def _router_body(x_ref, wg_ref, pos_ref, map_ref):
    x = x_ref[...]
    wg = wg_ref[...]
    logits = jax.lax.dot_general(
        x, wg, (((1,), (1,)), ((), ())), preferred_element_type=jnp.float32)
    lane = jax.lax.broadcasted_iota(jnp.int32, (T, E), 1)
    m = jnp.max(logits, axis=1, keepdims=True)
    eid = jnp.min(jnp.where(logits == m, lane, E), axis=1, keepdims=True)
    onehot = (lane == eid).astype(jnp.float32)

    tri = (jax.lax.broadcasted_iota(jnp.int32, (T, T), 0)
           > jax.lax.broadcasted_iota(jnp.int32, (T, T), 1)).astype(jnp.bfloat16)
    rank_mat = jax.lax.dot_general(
        tri, onehot.astype(jnp.bfloat16), (((1,), (0,)), ((), ())),
        preferred_element_type=jnp.float32)
    rank = jnp.sum(rank_mat * onehot, axis=1, keepdims=True)

    counts = jnp.sum(onehot, axis=0, keepdims=True)
    nb = jnp.floor((counts + float(BLK - 1)) * (1.0 / BLK))
    erow = jax.lax.broadcasted_iota(jnp.int32, (E, E), 0)
    ecol = jax.lax.broadcasted_iota(jnp.int32, (E, E), 1)
    upper = (erow < ecol).astype(jnp.float32)
    bstart = jax.lax.dot_general(
        nb, upper, (((1,), (0,)), ((), ())), preferred_element_type=jnp.float32)

    posf = float(BLK) * jnp.sum(onehot * bstart, axis=1, keepdims=True) + rank
    pos_ref[...] = posf.astype(jnp.int32)

    ones_col = jnp.ones((T, 1), jnp.float32)
    counts_col = jax.lax.dot_general(
        onehot, ones_col, (((0,), (0,)), ((), ())), preferred_element_type=jnp.float32)
    nb_col = jnp.floor((counts_col + float(BLK - 1)) * (1.0 / BLK))
    lower = (ecol < erow).astype(jnp.float32)
    bstart_col = jax.lax.dot_general(
        lower, nb_col, (((1,), (0,)), ((), ())), preferred_element_type=jnp.float32)
    map_ref[0:E, :] = bstart_col.astype(jnp.int32)
    map_ref[E:2 * E, :] = nb_col.astype(jnp.int32)


_router = pl.pallas_call(
    _router_body,
    out_shape=(
        jax.ShapeDtypeStruct((T, 1), jnp.int32),
        jax.ShapeDtypeStruct((2 * E, 1), jnp.int32),
    ),
)


NSPLIT = 2
H2 = H // NSPLIT


def _ffn_body(m_ref, d_ref, w1_ref, w2_ref, y_ref):
    e = pl.program_id(0)
    j = pl.program_id(1)
    bs = m_ref[e]
    nb = m_ref[E + e]
    def blk(i, carry):
        r0 = (bs + i) * BLK
        xb = d_ref[pl.ds(r0, BLK), :]
        h = jax.lax.dot_general(
            xb, w1_ref[0], (((1,), (1,)), ((), ())),
            preferred_element_type=jnp.float32)
        h = 0.5 * h * (1.0 + jax.lax.erf(h * (2.0 ** -0.5)))
        part = jax.lax.dot_general(
            h, w2_ref[0], (((1,), (1,)), ((), ())),
            preferred_element_type=jnp.float32)

        @pl.when(j == 0)
        def _():
            y_ref[pl.ds(r0, BLK), :] = part

        @pl.when(j != 0)
        def _():
            y_ref[pl.ds(r0, BLK), :] += part

        return carry

    jax.lax.fori_loop(0, nb, blk, 0)


_ffn = pl.pallas_call(
    _ffn_body,
    grid_spec=pltpu.PrefetchScalarGridSpec(
        num_scalar_prefetch=1,
        grid=(E, NSPLIT),
        in_specs=[
            pl.BlockSpec((NBLK * BLK, C), lambda e, j, m: (0, 0)),
            pl.BlockSpec((1, H2, C), lambda e, j, m: (e, j, 0)),
            pl.BlockSpec((1, C, H2), lambda e, j, m: (e, 0, j)),
        ],
        out_specs=pl.BlockSpec((NBLK * BLK, C), lambda e, j, m: (0, 0)),
    ),
    out_shape=jax.ShapeDtypeStruct((NBLK * BLK, C), jnp.float32),
)


@functools.lru_cache(maxsize=None)
def _sc_kernels():
    mesh = plsc.VectorSubcoreMesh(core_axis_name="c", subcore_axis_name="s")
    scratch = [
        pltpu.VMEM((TPW,), jnp.int32),
        pltpu.VMEM((TPW, C), jnp.float32),
        pltpu.SemaphoreType.DMA,
    ]

    @functools.partial(
        pl.kernel,
        out_type=jax.ShapeDtypeStruct((NBLK * BLK, C), jnp.float32),
        mesh=mesh,
        scratch_types=scratch,
    )
    def dispatch_sc(x_hbm, pos_hbm, out_hbm, idx_v, rows_v, sem):
        wid = jax.lax.axis_index("s") * 2 + jax.lax.axis_index("c")
        base = wid * TPW
        pltpu.sync_copy(pos_hbm.at[pl.ds(base, TPW)], idx_v)
        pltpu.sync_copy(x_hbm.at[pl.ds(base, TPW)], rows_v)
        pltpu.async_copy(rows_v, out_hbm.at[idx_v], sem).wait()

    @functools.partial(
        pl.kernel,
        out_type=jax.ShapeDtypeStruct((T, C), jnp.float32),
        mesh=mesh,
        scratch_types=scratch,
    )
    def combine_sc(y_hbm, pos_hbm, out_hbm, idx_v, rows_v, sem):
        wid = jax.lax.axis_index("s") * 2 + jax.lax.axis_index("c")
        base = wid * TPW
        pltpu.sync_copy(pos_hbm.at[pl.ds(base, TPW)], idx_v)
        pltpu.async_copy(y_hbm.at[idx_v], rows_v, sem).wait()
        pltpu.sync_copy(rows_v, out_hbm.at[pl.ds(base, TPW)])

    return dispatch_sc, combine_sc


def kernel(x, Wg, W1, W2):
    B, T_, C_ = x.shape
    xf = x.reshape(T_, C_)
    pos2d, map2d = _router(xf, Wg)
    pos = pos2d.reshape(T_)
    blk_map = map2d.reshape(2 * E)
    dispatch_sc, combine_sc = _sc_kernels()
    disp = dispatch_sc(xf, pos)
    y = _ffn(blk_map, disp, W1, W2)
    out = combine_sc(y, pos)
    return out.reshape(B, T_, C_)

# --- scband reference (transcript-rebuilt; emitter-appended) ---
"""Pipeline reference for scband-mo-elayer-5970004541626 (READ-ONLY COPY).

The authoritative reference and input builder live on the scoring server;
editing this copy changes nothing except your own understanding.
"""

import jax, jax.numpy as jnp
import numpy as np

D_MODEL = 768
N_EXPERTS = 16
TOP_K = 1


def setup_inputs(seed: int = 0) -> dict:
    key = jax.random.key(seed)
    k1, k2, k3, k4 = jax.random.split(key, 4)
    x = jax.random.normal(k1, (1, 2048, D_MODEL), dtype=jnp.float32)
    # gate: nn.Linear(d_model, n_experts, bias=False) -> weight (E, d)
    Wg = jax.random.normal(k2, (N_EXPERTS, D_MODEL), dtype=jnp.float32) * 0.02
    # expert fc1: nn.Linear(d, 4d, bias=False) -> weight (4d, d), stacked per expert
    W1 = jax.random.normal(k3, (N_EXPERTS, 4 * D_MODEL, D_MODEL), dtype=jnp.float32) * 0.02
    # expert fc2: nn.Linear(4d, d, bias=False) -> weight (d, 4d), stacked per expert
    W2 = jax.random.normal(k4, (N_EXPERTS, D_MODEL, 4 * D_MODEL), dtype=jnp.float32) * 0.02
    return {"x": x, "Wg": Wg, "W1": W1, "W2": W2}


def reference(x, Wg, W1, W2):
    B, T, C = x.shape
    x_flat = x.reshape(-1, C)
    router_logits = x_flat @ Wg.T
    topk_values, topk_indices = jax.lax.top_k(router_logits, TOP_K)
    topk_weights = jax.nn.softmax(topk_values, axis=-1)
    # (aux load-balancing loss is computed in torch but not returned; output is unaffected)
    output = jnp.zeros_like(x_flat)
    for e in range(N_EXPERTS):
        # combined routing coefficient for expert e across all top-k slots
        coeff = jnp.zeros((x_flat.shape[0],), dtype=x_flat.dtype)
        for kk in range(TOP_K):
            coeff = coeff + jnp.where(topk_indices[:, kk] == e, topk_weights[:, kk], 0.0)
        h = jax.nn.gelu(x_flat @ W1[e].T, approximate=False)  # torch nn.GELU default = exact erf
        expert_out = h @ W2[e].T
        output = output + coeff[:, None] * expert_out
    # dropout p=0.0 -> identity
    return output.reshape(B, T, C)

if __name__ == "__main__":
    import jax
    _d = setup_inputs()
    print(jax.jit(kernel)(*tuple(_d.values())))

</pallas_src>

<mosaic_0001>
#map = affine_map<(d0, d1) -> (0, 0)>
#map1 = affine_map<(d0, d1) -> (0)>
module attributes {stable_mosaic.version = 14 : i64} {
  func.func @dispatch_sc(%arg0: i32, %arg1: i32, %arg2: memref<2048x768xf32, #tpu.memory_space<hbm>>, %arg3: memref<2048xi32, #tpu.memory_space<hbm>>, %arg4: memref<4096x768xf32, #tpu.memory_space<hbm>>, %arg5: memref<64xi32, #tpu.memory_space<vmem>>, %arg6: memref<64x768xf32, #tpu.memory_space<vmem>>, %arg7: memref<!tpu.dma_semaphore, #tpu.memory_space<semaphore_mem>>) attributes {dimension_semantics = [#tpu.dimension_semantics<core_parallel>, #tpu.dimension_semantics<subcore_parallel>], iteration_bounds = array<i64: 2, 16>, scalar_prefetch = 0 : i64, scratch_operands = 3 : i64, tpu.core_type = #tpu.core_type<sc_vector_subcore>, window_params = [{transform_indices = #map}, {transform_indices = #map1}, {transform_indices = #map}]} {
    %mul3A = arith.constant 2 : i32
    %mul3A_0 = arith.muli %arg1, %mul3A : i32
    %add3A = arith.addi %mul3A_0, %arg0 : i32
    %mul3A_1 = arith.constant 64 : i32
    %mul3A_2 = arith.muli %add3A, %mul3A_1 : i32
    "tpu.region"() ({
      %run_scoped3A = tpu.sem_alloc : memref<!tpu.dma_semaphore, #tpu.memory_space<semaphore_mem>>
      %dma_start3A_7 = tpu.memref_slice %arg3[%mul3A_2] : memref<2048xi32, #tpu.memory_space<hbm>> -> memref<64xi32, #tpu.memory_space<hbm>>
      %dma_start3A_8 = tpu.memref_slice %arg3[%mul3A_2] : memref<2048xi32, #tpu.memory_space<hbm>> -> memref<64xi32, #tpu.memory_space<hbm>>
      tpu.enqueue_dma source(%dma_start3A_8 : memref<64xi32, #tpu.memory_space<hbm>>) target(%arg5 : memref<64xi32, #tpu.memory_space<vmem>>) target_semaphore(%run_scoped3A : memref<!tpu.dma_semaphore, #tpu.memory_space<semaphore_mem>>)
      %dma_wait3A_9 = tpu.memref_slice %arg3[%mul3A_2] : memref<2048xi32, #tpu.memory_space<hbm>> -> memref<64xi32, #tpu.memory_space<hbm>>
      %dma_wait3A_10 = tpu.memref_slice %arg3[%mul3A_2] : memref<2048xi32, #tpu.memory_space<hbm>> -> memref<64xi32, #tpu.memory_space<hbm>>
      tpu.wait_dma2 semaphore(%run_scoped3A : memref<!tpu.dma_semaphore, #tpu.memory_space<semaphore_mem>>) src(%dma_wait3A_10 : memref<64xi32, #tpu.memory_space<hbm>>) dst(%arg5 : memref<64xi32, #tpu.memory_space<vmem>>)
      tpu.yield
    }) : () -> ()
    "tpu.region"() ({
      %run_scoped3A = tpu.sem_alloc : memref<!tpu.dma_semaphore, #tpu.memory_space<semaphore_mem>>
      %dma_start3A_7 = arith.constant 0 : i32
      %dma_start3A_8 = tpu.memref_slice %arg2[%mul3A_2, %dma_start3A_7] : memref<2048x768xf32, #tpu.memory_space<hbm>> -> memref<64x768xf32, #tpu.memory_space<hbm>>
      %dma_start3A_9 = arith.constant 0 : i32
      %dma_start3A_10 = tpu.memref_slice %arg2[%mul3A_2, %dma_start3A_9] : memref<2048x768xf32, #tpu.memory_space<hbm>> -> memref<64x768xf32, #tpu.memory_space<hbm>>
      tpu.enqueue_dma source(%dma_start3A_10 : memref<64x768xf32, #tpu.memory_space<hbm>>) target(%arg6 : memref<64x768xf32, #tpu.memory_space<vmem>>) target_semaphore(%run_scoped3A : memref<!tpu.dma_semaphore, #tpu.memory_space<semaphore_mem>>)
      %dma_wait3A_11 = arith.constant 0 : i32
      %dma_wait3A_12 = tpu.memref_slice %arg2[%mul3A_2, %dma_wait3A_11] : memref<2048x768xf32, #tpu.memory_space<hbm>> -> memref<64x768xf32, #tpu.memory_space<hbm>>
      %dma_wait3A_13 = arith.constant 0 : i32
      %dma_wait3A_14 = tpu.memref_slice %arg2[%mul3A_2, %dma_wait3A_13] : memref<2048x768xf32, #tpu.memory_space<hbm>> -> memref<64x768xf32, #tpu.memory_space<hbm>>
      tpu.wait_dma2 semaphore(%run_scoped3A : memref<!tpu.dma_semaphore, #tpu.memory_space<semaphore_mem>>) src(%dma_wait3A_14 : memref<64x768xf32, #tpu.memory_space<hbm>>) dst(%arg6 : memref<64x768xf32, #tpu.memory_space<vmem>>)
      tpu.yield
    }) : () -> ()
    %dma_start3A = arith.constant 0 : i32
    %dma_start3A_3 = arith.constant 0 : i32
    %dma_start3A_4 = tpu.memref_slice %arg4[%dma_start3A, %dma_start3A_3] : memref<4096x768xf32, #tpu.memory_space<hbm>> -> memref<4096x768xf32, #tpu.memory_space<hbm>>
    tpu.enqueue_indirect_dma source(%arg6 : memref<64x768xf32, #tpu.memory_space<vmem>>) target(%dma_start3A_4 : memref<4096x768xf32, #tpu.memory_space<hbm>>) offsets(%arg5 : memref<64xi32, #tpu.memory_space<vmem>>) semaphore(%arg7 : memref<!tpu.dma_semaphore, #tpu.memory_space<semaphore_mem>>)
    %dma_wait3A = arith.constant 0 : i32
    %dma_wait3A_5 = arith.constant 0 : i32
    %dma_wait3A_6 = tpu.memref_slice %arg4[%dma_wait3A, %dma_wait3A_5] : memref<4096x768xf32, #tpu.memory_space<hbm>> -> memref<4096x768xf32, #tpu.memory_space<hbm>>
    tpu.wait_indirect_dma semaphore(%arg7 : memref<!tpu.dma_semaphore, #tpu.memory_space<semaphore_mem>>) src(%arg6 : memref<64x768xf32, #tpu.memory_space<vmem>>) dst(%dma_wait3A_6 : memref<4096x768xf32, #tpu.memory_space<hbm>>)
    return
  }
}

#map = affine_map<(d0, d1) -> (0, 0)>
#map1 = affine_map<(d0, d1) -> (0)>
module attributes {stable_mosaic.version = 14 : i64} {
  func.func @combine_sc(%arg0: i32, %arg1: i32, %arg2: memref<4096x768xf32, #tpu.memory_space<hbm>>, %arg3: memref<2048xi32, #tpu.memory_space<hbm>>, %arg4: memref<2048x768xf32, #tpu.memory_space<hbm>>, %arg5: memref<64xi32, #tpu.memory_space<vmem>>, %arg6: memref<64x768xf32, #tpu.memory_space<vmem>>, %arg7: memref<!tpu.dma_semaphore, #tpu.memory_space<semaphore_mem>>) attributes {dimension_semantics = [#tpu.dimension_semantics<core_parallel>, #tpu.dimension_semantics<subcore_parallel>], iteration_bounds = array<i64: 2, 16>, scalar_prefetch = 0 : i64, scratch_operands = 3 : i64, tpu.core_type = #tpu.core_type<sc_vector_subcore>, window_params = [{transform_indices = #map}, {transform_indices = #map1}, {transform_indices = #map}]} {
    %mul3A = arith.constant 2 : i32
    %mul3A_0 = arith.muli %arg1, %mul3A : i32
    %add3A = arith.addi %mul3A_0, %arg0 : i32
    %mul3A_1 = arith.constant 64 : i32
    %mul3A_2 = arith.muli %add3A, %mul3A_1 : i32
    "tpu.region"() ({
      %run_scoped3A = tpu.sem_alloc : memref<!tpu.dma_semaphore, #tpu.memory_space<semaphore_mem>>
      %dma_start3A_7 = tpu.memref_slice %arg3[%mul3A_2] : memref<2048xi32, #tpu.memory_space<hbm>> -> memref<64xi32, #tpu.memory_space<hbm>>
      %dma_start3A_8 = tpu.memref_slice %arg3[%mul3A_2] : memref<2048xi32, #tpu.memory_space<hbm>> -> memref<64xi32, #tpu.memory_space<hbm>>
      tpu.enqueue_dma source(%dma_start3A_8 : memref<64xi32, #tpu.memory_space<hbm>>) target(%arg5 : memref<64xi32, #tpu.memory_space<vmem>>) target_semaphore(%run_scoped3A : memref<!tpu.dma_semaphore, #tpu.memory_space<semaphore_mem>>)
      %dma_wait3A_9 = tpu.memref_slice %arg3[%mul3A_2] : memref<2048xi32, #tpu.memory_space<hbm>> -> memref<64xi32, #tpu.memory_space<hbm>>
      %dma_wait3A_10 = tpu.memref_slice %arg3[%mul3A_2] : memref<2048xi32, #tpu.memory_space<hbm>> -> memref<64xi32, #tpu.memory_space<hbm>>
      tpu.wait_dma2 semaphore(%run_scoped3A : memref<!tpu.dma_semaphore, #tpu.memory_space<semaphore_mem>>) src(%dma_wait3A_10 : memref<64xi32, #tpu.memory_space<hbm>>) dst(%arg5 : memref<64xi32, #tpu.memory_space<vmem>>)
      tpu.yield
    }) : () -> ()
    %dma_start3A = arith.constant 0 : i32
    %dma_start3A_3 = arith.constant 0 : i32
    %dma_start3A_4 = tpu.memref_slice %arg2[%dma_start3A, %dma_start3A_3] : memref<4096x768xf32, #tpu.memory_space<hbm>> -> memref<4096x768xf32, #tpu.memory_space<hbm>>
    tpu.enqueue_indirect_dma source(%dma_start3A_4 : memref<4096x768xf32, #tpu.memory_space<hbm>>) target(%arg6 : memref<64x768xf32, #tpu.memory_space<vmem>>) offsets(%arg5 : memref<64xi32, #tpu.memory_space<vmem>>) semaphore(%arg7 : memref<!tpu.dma_semaphore, #tpu.memory_space<semaphore_mem>>)
    %dma_wait3A = arith.constant 0 : i32
    %dma_wait3A_5 = arith.constant 0 : i32
    %dma_wait3A_6 = tpu.memref_slice %arg2[%dma_wait3A, %dma_wait3A_5] : memref<4096x768xf32, #tpu.memory_space<hbm>> -> memref<4096x768xf32, #tpu.memory_space<hbm>>
    tpu.wait_indirect_dma semaphore(%arg7 : memref<!tpu.dma_semaphore, #tpu.memory_space<semaphore_mem>>) src(%dma_wait3A_6 : memref<4096x768xf32, #tpu.memory_space<hbm>>) dst(%arg6 : memref<64x768xf32, #tpu.memory_space<vmem>>)
    "tpu.region"() ({
      %run_scoped3A = tpu.sem_alloc : memref<!tpu.dma_semaphore, #tpu.memory_space<semaphore_mem>>
      %dma_start3A_7 = arith.constant 0 : i32
      %dma_start3A_8 = tpu.memref_slice %arg4[%mul3A_2, %dma_start3A_7] : memref<2048x768xf32, #tpu.memory_space<hbm>> -> memref<64x768xf32, #tpu.memory_space<hbm>>
      %dma_start3A_9 = arith.constant 0 : i32
      %dma_start3A_10 = tpu.memref_slice %arg4[%mul3A_2, %dma_start3A_9] : memref<2048x768xf32, #tpu.memory_space<hbm>> -> memref<64x768xf32, #tpu.memory_space<hbm>>
      tpu.enqueue_dma source(%arg6 : memref<64x768xf32, #tpu.memory_space<vmem>>) target(%dma_start3A_10 : memref<64x768xf32, #tpu.memory_space<hbm>>) target_semaphore(%run_scoped3A : memref<!tpu.dma_semaphore, #tpu.memory_space<semaphore_mem>>)
      %dma_wait3A_11 = arith.constant 0 : i32
      %dma_wait3A_12 = tpu.memref_slice %arg4[%mul3A_2, %dma_wait3A_11] : memref<2048x768xf32, #tpu.memory_space<hbm>> -> memref<64x768xf32, #tpu.memory_space<hbm>>
      %dma_wait3A_13 = arith.constant 0 : i32
      %dma_wait3A_14 = tpu.memref_slice %arg4[%mul3A_2, %dma_wait3A_13] : memref<2048x768xf32, #tpu.memory_space<hbm>> -> memref<64x768xf32, #tpu.memory_space<hbm>>
      tpu.wait_dma2 semaphore(%run_scoped3A : memref<!tpu.dma_semaphore, #tpu.memory_space<semaphore_mem>>) src(%arg6 : memref<64x768xf32, #tpu.memory_space<vmem>>) dst(%dma_wait3A_14 : memref<64x768xf32, #tpu.memory_space<hbm>>)
      tpu.yield
    }) : () -> ()
    return
  }
}

module attributes {stable_mosaic.version = 14 : i64} {
  func.func @_router_body(%arg0: memref<2048x768xf32, #tpu.memory_space<vmem>>, %arg1: memref<16x768xf32, #tpu.memory_space<vmem>>, %arg2: memref<2048x1xi32, #tpu.memory_space<vmem>>, %arg3: memref<32x1xi32, #tpu.memory_space<vmem>>) attributes {dimension_semantics = [], scalar_prefetch = 0 : i64, scratch_operands = 0 : i64, tpu.core_type = #tpu.core_type<tc>} {
    %get3A = arith.constant 0 : index
    %get3A_0 = arith.constant 0 : index
    %get3A_1 = vector.load %arg0[%get3A, %get3A_0] : memref<2048x768xf32, #tpu.memory_space<vmem>>, vector<2048x768xf32>
    %get3A_2 = arith.constant 0 : index
    %get3A_3 = arith.constant 0 : index
    %get3A_4 = vector.load %arg1[%get3A_2, %get3A_3] : memref<16x768xf32, #tpu.memory_space<vmem>>, vector<16x768xf32>
    %dot_general3A = arith.constant dense<0.000000e+00> : vector<2048x16xf32>
    %dot_general3A_5 = tpu.matmul %get3A_1, %get3A_4, %dot_general3A {dimension_numbers = #tpu.dot_dimension_numbers<[1], [1], [0], [0], [0, 0, 1, 0], [], []>, transpose_lhs_hint = false} : vector<2048x768xf32>, vector<16x768xf32>, vector<2048x16xf32> -> vector<2048x16xf32>
    %iota3A = tpu.iota {dimensions = array<i32: 1>} : vector<2048x16xi32>
    %reduce_max3A = arith.constant dense<0xFF800000> : vector<2048xf32>
    %reduce_max3A_6 = vector.multi_reduction <maximumf>, %dot_general3A_5, %reduce_max3A [1] : vector<2048x16xf32> to vector<2048xf32>
    %broadcast_in_dim3A = vector.shape_cast %reduce_max3A_6 : vector<2048xf32> to vector<2048x1xf32>
    %eq3A = vector.broadcast %broadcast_in_dim3A : vector<2048x1xf32> to vector<2048x16xf32>
    %eq3A_7 = arith.cmpf oeq, %dot_general3A_5, %eq3A : vector<2048x16xf32>
    %jit3A = arith.constant 16 : i32
    %broadcast_in_dim3A_8 = vector.broadcast %jit3A : i32 to vector<2048x16xi32>
    %select_n3A = arith.select %eq3A_7, %iota3A, %broadcast_in_dim3A_8 : vector<2048x16xi1>, vector<2048x16xi32>
    %reduce_min3A = arith.constant dense<2147483647> : vector<2048xi32>
    %reduce_min3A_9 = vector.multi_reduction <minsi>, %select_n3A, %reduce_min3A [1] : vector<2048x16xi32> to vector<2048xi32>
    %broadcast_in_dim3A_10 = vector.shape_cast %reduce_min3A_9 : vector<2048xi32> to vector<2048x1xi32>
    %eq3A_11 = vector.broadcast %broadcast_in_dim3A_10 : vector<2048x1xi32> to vector<2048x16xi32>
    %eq3A_12 = arith.cmpi eq, %iota3A, %eq3A_11 : vector<2048x16xi32>
    %convert_element_type3A = arith.extui %eq3A_12 : vector<2048x16xi1> to vector<2048x16xi32>
    %convert_element_type3A_13 = arith.sitofp %convert_element_type3A : vector<2048x16xi32> to vector<2048x16xf32>
    %iota3A_14 = tpu.iota {dimensions = array<i32: 0>} : vector<2048x2048xi32>
    %iota3A_15 = tpu.iota {dimensions = array<i32: 1>} : vector<2048x2048xi32>
    %gt3A = arith.cmpi sgt, %iota3A_14, %iota3A_15 : vector<2048x2048xi32>
    %convert_element_type3A_16 = arith.extui %gt3A : vector<2048x2048xi1> to vector<2048x2048xi32>
    %convert_element_type3A_17 = arith.sitofp %convert_element_type3A_16 : vector<2048x2048xi32> to vector<2048x2048xf32>
    %convert_element_type3A_18 = arith.truncf %convert_element_type3A_17 : vector<2048x2048xf32> to vector<2048x2048xbf16>
    %convert_element_type3A_19 = arith.truncf %convert_element_type3A_13 : vector<2048x16xf32> to vector<2048x16xbf16>
    %dot_general3A_20 = arith.constant dense<0.000000e+00> : vector<2048x16xf32>
    %dot_general3A_21 = tpu.matmul %convert_element_type3A_18, %convert_element_type3A_19, %dot_general3A_20 {dimension_numbers = #tpu.dot_dimension_numbers<[1], [0], [0], [1], [0, 0, 1, 1], [], []>, transpose_lhs_hint = false} : vector<2048x2048xbf16>, vector<2048x16xbf16>, vector<2048x16xf32> -> vector<2048x16xf32>
    %mul3A = arith.mulf %dot_general3A_21, %convert_element_type3A_13 : vector<2048x16xf32>
    %reduce_sum3A = arith.constant dense<0.000000e+00> : vector<2048xf32>
    %reduce_sum3A_22 = vector.multi_reduction <add>, %mul3A, %reduce_sum3A [1] : vector<2048x16xf32> to vector<2048xf32>
    %broadcast_in_dim3A_23 = vector.shape_cast %reduce_sum3A_22 : vector<2048xf32> to vector<2048x1xf32>
    %reduce_sum3A_24 = arith.constant dense<0.000000e+00> : vector<16xf32>
    %reduce_sum3A_25 = vector.multi_reduction <add>, %convert_element_type3A_13, %reduce_sum3A_24 [0] : vector<2048x16xf32> to vector<16xf32>
    %broadcast_in_dim3A_26 = vector.shape_cast %reduce_sum3A_25 : vector<16xf32> to vector<1x16xf32>
    %add3A = arith.constant 1.270000e+02 : f32
    %add3A_27 = vector.broadcast %add3A : f32 to vector<1x16xf32>
    %add3A_28 = arith.addf %broadcast_in_dim3A_26, %add3A_27 : vector<1x16xf32>
    %mul3A_29 = arith.constant 7.812500e-03 : f32
    %mul3A_30 = vector.broadcast %mul3A_29 : f32 to vector<1x16xf32>
    %mul3A_31 = arith.mulf %add3A_28, %mul3A_30 : vector<1x16xf32>
    %floor3A = math.floor %mul3A_31 : vector<1x16xf32>
    %iota3A_32 = tpu.iota {dimensions = array<i32: 0>} : vector<16x16xi32>
    %iota3A_33 = tpu.iota {dimensions = array<i32: 1>} : vector<16x16xi32>
    %lt3A = arith.cmpi slt, %iota3A_32, %iota3A_33 : vector<16x16xi32>
    %convert_element_type3A_34 = arith.extui %lt3A : vector<16x16xi1> to vector<16x16xi32>
    %convert_element_type3A_35 = arith.sitofp %convert_element_type3A_34 : vector<16x16xi32> to vector<16x16xf32>
    %dot_general3A_36 = arith.constant dense<0.000000e+00> : vector<1x16xf32>
    %dot_general3A_37 = tpu.matmul %floor3A, %convert_element_type3A_35, %dot_general3A_36 {dimension_numbers = #tpu.dot_dimension_numbers<[1], [0], [0], [1], [0, 0, 1, 1], [], []>, transpose_lhs_hint = false} : vector<1x16xf32>, vector<16x16xf32>, vector<1x16xf32> -> vector<1x16xf32>
    %mul3A_38 = vector.broadcast %dot_general3A_37 : vector<1x16xf32> to vector<2048x16xf32>
    %mul3A_39 = arith.mulf %convert_element_type3A_13, %mul3A_38 : vector<2048x16xf32>
    %reduce_sum3A_40 = arith.constant dense<0.000000e+00> : vector<2048xf32>
    %reduce_sum3A_41 = vector.multi_reduction <add>, %mul3A_39, %reduce_sum3A_40 [1] : vector<2048x16xf32> to vector<2048xf32>
    %broadcast_in_dim3A_42 = vector.shape_cast %reduce_sum3A_41 : vector<2048xf32> to vector<2048x1xf32>
    %mul3A_43 = arith.constant 1.280000e+02 : f32
    %mul3A_44 = vector.broadcast %mul3A_43 : f32 to vector<2048x1xf32>
    %mul3A_45 = arith.mulf %mul3A_44, %broadcast_in_dim3A_42 : vector<2048x1xf32>
    %add3A_46 = arith.addf %mul3A_45, %broadcast_in_dim3A_23 : vector<2048x1xf32>
    %convert_element_type3A_47 = arith.fptosi %add3A_46 : vector<2048x1xf32> to vector<2048x1xi32>
    %swap3A = arith.constant 0 : index
    %swap3A_48 = arith.constant 0 : index
    %swap3A_49 = vector.load %arg2[%swap3A, %swap3A_48] : memref<2048x1xi32, #tpu.memory_space<vmem>>, vector<2048x1xi32>
    tpu.vector_store %arg2[%swap3A, %swap3A_48], %convert_element_type3A_47 {strides = array<i32>} : memref<2048x1xi32, #tpu.memory_space<vmem>>, vector<2048x1xi32>,
    %broadcast_in_dim3A_50 = arith.constant 1.000000e+00 : f32
    %broadcast_in_dim3A_51 = vector.broadcast %broadcast_in_dim3A_50 : f32 to vector<2048x1xf32>
    %dot_general3A_52 = arith.constant dense<0.000000e+00> : vector<16x1xf32>
    %dot_general3A_53 = tpu.matmul %convert_element_type3A_13, %broadcast_in_dim3A_51, %dot_general3A_52 {dimension_numbers = #tpu.dot_dimension_numbers<[0], [0], [1], [1], [0, 1, 1, 1], [], []>, transpose_lhs_hint = false} : vector<2048x16xf32>, vector<2048x1xf32>, vector<16x1xf32> -> vector<16x1xf32>
    %add3A_54 = arith.constant 1.270000e+02 : f32
    %add3A_55 = vector.broadcast %add3A_54 : f32 to vector<16x1xf32>
    %add3A_56 = arith.addf %dot_general3A_53, %add3A_55 : vector<16x1xf32>
    %mul3A_57 = arith.constant 7.812500e-03 : f32
    %mul3A_58 = vector.broadcast %mul3A_57 : f32 to vector<16x1xf32>
    %mul3A_59 = arith.mulf %add3A_56, %mul3A_58 : vector<16x1xf32>
    %floor3A_60 = math.floor %mul3A_59 : vector<16x1xf32>
    %lt3A_61 = arith.cmpi slt, %iota3A_33, %iota3A_32 : vector<16x16xi32>
    %convert_element_type3A_62 = arith.extui %lt3A_61 : vector<16x16xi1> to vector<16x16xi32>
    %convert_element_type3A_63 = arith.sitofp %convert_element_type3A_62 : vector<16x16xi32> to vector<16x16xf32>
    %dot_general3A_64 = arith.constant dense<0.000000e+00> : vector<16x1xf32>
    %dot_general3A_65 = tpu.matmul %convert_element_type3A_63, %floor3A_60, %dot_general3A_64 {dimension_numbers = #tpu.dot_dimension_numbers<[1], [0], [0], [1], [0, 0, 1, 1], [], []>, transpose_lhs_hint = false} : vector<16x16xf32>, vector<16x1xf32>, vector<16x1xf32> -> vector<16x1xf32>
    %convert_element_type3A_66 = arith.fptosi %dot_general3A_65 : vector<16x1xf32> to vector<16x1xi32>
    %swap3A_67 = arith.constant 0 : index
    %swap3A_68 = arith.constant 0 : index
    %swap3A_69 = vector.load %arg3[%swap3A_67, %swap3A_68] : memref<32x1xi32, #tpu.memory_space<vmem>>, vector<16x1xi32>
    tpu.vector_store %arg3[%swap3A_67, %swap3A_68], %convert_element_type3A_66 {strides = array<i32>} : memref<32x1xi32, #tpu.memory_space<vmem>>, vector<16x1xi32>,
    %convert_element_type3A_70 = arith.fptosi %floor3A_60 : vector<16x1xf32> to vector<16x1xi32>
    %swap3A_71 = arith.constant 16 : index
    %swap3A_72 = arith.constant 0 : index
    %swap3A_73 = vector.load %arg3[%swap3A_71, %swap3A_72] : memref<32x1xi32, #tpu.memory_space<vmem>>, vector<16x1xi32>
    tpu.vector_store %arg3[%swap3A_71, %swap3A_72], %convert_element_type3A_70 {strides = array<i32>} : memref<32x1xi32, #tpu.memory_space<vmem>>, vector<16x1xi32>,
    return
  }
}

module attributes {stable_mosaic.version = 14 : i64} {
  func.func @_ffn_body(%arg0: i32, %arg1: i32, %arg2: memref<32xi32, #tpu.memory_space<smem>>, %arg3: memref<4096x768xf32, #tpu.memory_space<vmem>>, %arg4: memref<1x1536x768xf32, #tpu.memory_space<vmem>>, %arg5: memref<1x768x1536xf32, #tpu.memory_space<vmem>>, %arg6: memref<4096x768xf32, #tpu.memory_space<vmem>>) attributes {dimension_semantics = [#tpu.dimension_semantics<arbitrary>, #tpu.dimension_semantics<arbitrary>], iteration_bounds = array<i64: 16, 2>, scalar_prefetch = 1 : i64, scratch_operands = 0 : i64, tpu.core_type = #tpu.core_type<tc>, window_params = [{pipeline_mode = #tpu.pipeline_mode<synchronous>, transform_indices = @transform_0, window_bounds = array<i64: 4096, 768>}, {transform_indices = @transform_1, window_bounds = array<i64: 1, 1536, 768>}, {transform_indices = @transform_2, window_bounds = array<i64: 1, 768, 1536>}, {pipeline_mode = #tpu.pipeline_mode<synchronous>, transform_indices = @transform_3, window_bounds = array<i64: 4096, 768>}]} {
    %get3A = arith.index_cast %arg0 : i32 to index
    %get3A_0 = memref.load %arg2[%get3A] : memref<32xi32, #tpu.memory_space<smem>>
    %add3A = arith.constant 16 : i32
    %add3A_1 = arith.addi %add3A, %arg0 : i32
    %get3A_2 = arith.index_cast %add3A_1 : i32 to index
    %get3A_3 = memref.load %arg2[%get3A_2] : memref<32xi32, #tpu.memory_space<smem>>
    %while3A = arith.constant 0 : i32
    %while3A_4 = arith.constant 0 : i32
    %while3A_5 = arith.subi %get3A_3, %while3A_4 : i32
    %while3A_6 = arith.addi %while3A_4, %while3A_5 : i32
    %while3A_7 = arith.constant 1 : i32
    %while3A_8 = arith.divsi %while3A_5, %while3A_7 : i32
    %while3A_9 = arith.muli %while3A_8, %while3A_7 : i32
    %while3A_10 = arith.addi %while3A_4, %while3A_9 : i32
    %while3A_11 = arith.constant 1 : i32
    scf.for %while3A_13 = %while3A_4 to %while3A_10 step %while3A_11  : i32 {
      %add3A_14 = arith.addi %get3A_0, %while3A_13 : i32
      %mul3A = arith.constant 128 : i32
      %mul3A_15 = arith.muli %add3A_14, %mul3A : i32
      %get3A_16 = arith.index_cast %mul3A_15 : i32 to index
      %get3A_17 = arith.constant 0 : index
      %get3A_18 = vector.load %arg3[%get3A_16, %get3A_17] : memref<4096x768xf32, #tpu.memory_space<vmem>>, vector<128x768xf32>
      %get3A_19 = arith.constant 0 : index
      %get3A_20 = arith.constant 0 : index
      %get3A_21 = arith.constant 0 : index
      %get3A_22 = vector.load %arg4[%get3A_19, %get3A_20, %get3A_21] : memref<1x1536x768xf32, #tpu.memory_space<vmem>>, vector<1x1536x768xf32>
      %get3A_23 = vector.shape_cast %get3A_22 : vector<1x1536x768xf32> to vector<1536x768xf32>
      %dot_general3A = arith.constant dense<0.000000e+00> : vector<128x1536xf32>
      %dot_general3A_24 = tpu.matmul %get3A_18, %get3A_23, %dot_general3A {dimension_numbers = #tpu.dot_dimension_numbers<[1], [1], [0], [0], [0, 0, 1, 0], [], []>, transpose_lhs_hint = false} : vector<128x768xf32>, vector<1536x768xf32>, vector<128x1536xf32> -> vector<128x1536xf32>
      %mul3A_25 = arith.constant 5.000000e-01 : f32
      %mul3A_26 = vector.broadcast %mul3A_25 : f32 to vector<128x1536xf32>
      %mul3A_27 = arith.mulf %mul3A_26, %dot_general3A_24 : vector<128x1536xf32>
      %mul3A_28 = arith.constant 0.707106769 : f32
      %mul3A_29 = vector.broadcast %mul3A_28 : f32 to vector<128x1536xf32>
      %mul3A_30 = arith.mulf %dot_general3A_24, %mul3A_29 : vector<128x1536xf32>
      %erf3A = math.erf %mul3A_30 : vector<128x1536xf32>
      %add3A_31 = arith.constant 1.000000e+00 : f32
      %add3A_32 = vector.broadcast %add3A_31 : f32 to vector<128x1536xf32>
      %add3A_33 = arith.addf %add3A_32, %erf3A : vector<128x1536xf32>
      %mul3A_34 = arith.mulf %mul3A_27, %add3A_33 : vector<128x1536xf32>
      %get3A_35 = arith.constant 0 : index
      %get3A_36 = arith.constant 0 : index
      %get3A_37 = arith.constant 0 : index
      %get3A_38 = vector.load %arg5[%get3A_35, %get3A_36, %get3A_37] : memref<1x768x1536xf32, #tpu.memory_space<vmem>>, vector<1x768x1536xf32>
      %get3A_39 = vector.shape_cast %get3A_38 : vector<1x768x1536xf32> to vector<768x1536xf32>
      %dot_general3A_40 = arith.constant dense<0.000000e+00> : vector<128x768xf32>
      %dot_general3A_41 = tpu.matmul %mul3A_34, %get3A_39, %dot_general3A_40 {dimension_numbers = #tpu.dot_dimension_numbers<[1], [1], [0], [0], [0, 0, 1, 0], [], []>, transpose_lhs_hint = false} : vector<128x1536xf32>, vector<768x1536xf32>, vector<128x768xf32> -> vector<128x768xf32>
      %eq3A = arith.constant 0 : i32
      %eq3A_42 = arith.cmpi eq, %arg1, %eq3A : i32
      %convert_element_type3A = arith.extui %eq3A_42 : i1 to i32
      %cond3A = arith.constant 0 : i32
      %cond3A_43 = arith.cmpi ne, %convert_element_type3A, %cond3A : i32
      scf.if %cond3A_43 {
        %swap3A = arith.index_cast %mul3A_15 : i32 to index
        %swap3A_48 = arith.constant 0 : index
        %swap3A_49 = vector.load %arg6[%swap3A, %swap3A_48] : memref<4096x768xf32, #tpu.memory_space<vmem>>, vector<128x768xf32>
        tpu.vector_store %arg6[%swap3A, %swap3A_48], %dot_general3A_41 {strides = array<i32>} : memref<4096x768xf32, #tpu.memory_space<vmem>>, vector<128x768xf32>,
      } else {
      }
      %ne3A = arith.constant 0 : i32
      %ne3A_44 = arith.cmpi ne, %arg1, %ne3A : i32
      %convert_element_type3A_45 = arith.extui %ne3A_44 : i1 to i32
      %cond3A_46 = arith.constant 0 : i32
      %cond3A_47 = arith.cmpi ne, %convert_element_type3A_45, %cond3A_46 : i32
      scf.if %cond3A_47 {
        %get3A_48 = arith.index_cast %mul3A_15 : i32 to index
        %get3A_49 = arith.constant 0 : index
        %get3A_50 = vector.load %arg6[%get3A_48, %get3A_49] : memref<4096x768xf32, #tpu.memory_space<vmem>>, vector<128x768xf32>
        %add3A_51 = arith.addf %get3A_50, %dot_general3A_41 : vector<128x768xf32>
        %swap3A = arith.index_cast %mul3A_15 : i32 to index
        %swap3A_52 = arith.constant 0 : index
        %swap3A_53 = vector.load %arg6[%swap3A, %swap3A_52] : memref<4096x768xf32, #tpu.memory_space<vmem>>, vector<128x768xf32>
        tpu.vector_store %arg6[%swap3A, %swap3A_52], %add3A_51 {strides = array<i32>} : memref<4096x768xf32, #tpu.memory_space<vmem>>, vector<128x768xf32>,
      } else {
      }
    }
    %while3A_12 = arith.constant 1 : i32
    scf.for %while3A_13 = %while3A_10 to %while3A_6 step %while3A_12  : i32 {
      %add3A_14 = arith.addi %get3A_0, %while3A_13 : i32
      %mul3A = arith.constant 128 : i32
      %mul3A_15 = arith.muli %add3A_14, %mul3A : i32
      %get3A_16 = arith.index_cast %mul3A_15 : i32 to index
      %get3A_17 = arith.constant 0 : index
      %get3A_18 = vector.load %arg3[%get3A_16, %get3A_17] : memref<4096x768xf32, #tpu.memory_space<vmem>>, vector<128x768xf32>
      %get3A_19 = arith.constant 0 : index
      %get3A_20 = arith.constant 0 : index
      %get3A_21 = arith.constant 0 : index
      %get3A_22 = vector.load %arg4[%get3A_19, %get3A_20, %get3A_21] : memref<1x1536x768xf32, #tpu.memory_space<vmem>>, vector<1x1536x768xf32>
      %get3A_23 = vector.shape_cast %get3A_22 : vector<1x1536x768xf32> to vector<1536x768xf32>
      %dot_general3A = arith.constant dense<0.000000e+00> : vector<128x1536xf32>
      %dot_general3A_24 = tpu.matmul %get3A_18, %get3A_23, %dot_general3A {dimension_numbers = #tpu.dot_dimension_numbers<[1], [1], [0], [0], [0, 0, 1, 0], [], []>, transpose_lhs_hint = false} : vector<128x768xf32>, vector<1536x768xf32>, vector<128x1536xf32> -> vector<128x1536xf32>
      %mul3A_25 = arith.constant 5.000000e-01 : f32
      %mul3A_26 = vector.broadcast %mul3A_25 : f32 to vector<128x1536xf32>
      %mul3A_27 = arith.mulf %mul3A_26, %dot_general3A_24 : vector<128x1536xf32>
      %mul3A_28 = arith.constant 0.707106769 : f32
      %mul3A_29 = vector.broadcast %mul3A_28 : f32 to vector<128x1536xf32>
      %mul3A_30 = arith.mulf %dot_general3A_24, %mul3A_29 : vector<128x1536xf32>
      %erf3A = math.erf %mul3A_30 : vector<128x1536xf32>
      %add3A_31 = arith.constant 1.000000e+00 : f32
      %add3A_32 = vector.broadcast %add3A_31 : f32 to vector<128x1536xf32>
      %add3A_33 = arith.addf %add3A_32, %erf3A : vector<128x1536xf32>
      %mul3A_34 = arith.mulf %mul3A_27, %add3A_33 : vector<128x1536xf32>
      %get3A_35 = arith.constant 0 : index
      %get3A_36 = arith.constant 0 : index
      %get3A_37 = arith.constant 0 : index
      %get3A_38 = vector.load %arg5[%get3A_35, %get3A_36, %get3A_37] : memref<1x768x1536xf32, #tpu.memory_space<vmem>>, vector<1x768x1536xf32>
      %get3A_39 = vector.shape_cast %get3A_38 : vector<1x768x1536xf32> to vector<768x1536xf32>
      %dot_general3A_40 = arith.constant dense<0.000000e+00> : vector<128x768xf32>
      %dot_general3A_41 = tpu.matmul %mul3A_34, %get3A_39, %dot_general3A_40 {dimension_numbers = #tpu.dot_dimension_numbers<[1], [1], [0], [0], [0, 0, 1, 0], [], []>, transpose_lhs_hint = false} : vector<128x1536xf32>, vector<768x1536xf32>, vector<128x768xf32> -> vector<128x768xf32>
      %eq3A = arith.constant 0 : i32
      %eq3A_42 = arith.cmpi eq, %arg1, %eq3A : i32
      %convert_element_type3A = arith.extui %eq3A_42 : i1 to i32
      %cond3A = arith.constant 0 : i32
      %cond3A_43 = arith.cmpi ne, %convert_element_type3A, %cond3A : i32
      scf.if %cond3A_43 {
        %swap3A = arith.index_cast %mul3A_15 : i32 to index
        %swap3A_48 = arith.constant 0 : index
        %swap3A_49 = vector.load %arg6[%swap3A, %swap3A_48] : memref<4096x768xf32, #tpu.memory_space<vmem>>, vector<128x768xf32>
        tpu.vector_store %arg6[%swap3A, %swap3A_48], %dot_general3A_41 {strides = array<i32>} : memref<4096x768xf32, #tpu.memory_space<vmem>>, vector<128x768xf32>,
      } else {
      }
      %ne3A = arith.constant 0 : i32
      %ne3A_44 = arith.cmpi ne, %arg1, %ne3A : i32
      %convert_element_type3A_45 = arith.extui %ne3A_44 : i1 to i32
      %cond3A_46 = arith.constant 0 : i32
      %cond3A_47 = arith.cmpi ne, %convert_element_type3A_45, %cond3A_46 : i32
      scf.if %cond3A_47 {
        %get3A_48 = arith.index_cast %mul3A_15 : i32 to index
        %get3A_49 = arith.constant 0 : index
        %get3A_50 = vector.load %arg6[%get3A_48, %get3A_49] : memref<4096x768xf32, #tpu.memory_space<vmem>>, vector<128x768xf32>
        %add3A_51 = arith.addf %get3A_50, %dot_general3A_41 : vector<128x768xf32>
        %swap3A = arith.index_cast %mul3A_15 : i32 to index
        %swap3A_52 = arith.constant 0 : index
        %swap3A_53 = vector.load %arg6[%swap3A, %swap3A_52] : memref<4096x768xf32, #tpu.memory_space<vmem>>, vector<128x768xf32>
        tpu.vector_store %arg6[%swap3A, %swap3A_52], %add3A_51 {strides = array<i32>} : memref<4096x768xf32, #tpu.memory_space<vmem>>, vector<128x768xf32>,
      } else {
      }
    }
    return
  }
  func.func @transform_0(%arg0: i32, %arg1: i32, %arg2: memref<32xi32, #tpu.memory_space<smem>>) -> (i32, i32) {
    %c0_i32 = arith.constant 0 : i32
    %c0_i32_0 = arith.constant 0 : i32
    %c0_i32_1 = arith.constant 0 : i32
    return %c0_i32, %c0_i32_0 : i32, i32
  }
  func.func @transform_1(%arg0: i32, %arg1: i32, %arg2: memref<32xi32, #tpu.memory_space<smem>>) -> (i32, i32, i32) {
    %c0_i32 = arith.constant 0 : i32
    %c0_i32_0 = arith.constant 0 : i32
    return %arg0, %arg1, %c0_i32 : i32, i32, i32
  }
  func.func @transform_2(%arg0: i32, %arg1: i32, %arg2: memref<32xi32, #tpu.memory_space<smem>>) -> (i32, i32, i32) {
    %c0_i32 = arith.constant 0 : i32
    %c0_i32_0 = arith.constant 0 : i32
    return %arg0, %c0_i32, %arg1 : i32, i32, i32
  }
  func.func @transform_3(%arg0: i32, %arg1: i32, %arg2: memref<32xi32, #tpu.memory_space<smem>>) -> (i32, i32) {
    %c0_i32 = arith.constant 0 : i32
    %c0_i32_0 = arith.constant 0 : i32
    %c0_i32_1 = arith.constant 0 : i32
    return %c0_i32, %c0_i32_0 : i32, i32
  }
}

</mosaic_0001>

<sc_bundles>
// kernel: kernel.6.cloned.1.call-start
scs
__scs_entry_jumppad:
0x0: {  	(pc) =	sbr.rel $0x88, $3  }
0x1: {  	(tag) =	ssettag $0x0;
	lr =	simm.s32 $0x1  }
0x2: {  	[smem:$0x3F9D] =	sst lr;
	_ =	strace $0xD0000000  }
0x3: {  	_ = 	snop  }
0x4: {  	_ = 	snop  }
0x5: {  	_ = 	snop  }
0x6: {  	_ = 	snop  }
0x7: {  	_ = 	snop  }
__scs_overlays_trampoline_lowered:
0x8: {  	[smem:$0x3FAC] =	sst s0  }
0x9: {  	[smem:$0x3FAD] =	sst s1  }
0xa: {  	[smem:$0x3FAE] =	sst s2  }
0xb: {  	[smem:$0x3FAF] =	sst s3  }
0xc: {  	[smem:$0x3FB0] =	sst s4  }
0xd: {  	[smem:$0x3FB1] =	sst s5  }
0xe: {  	[smem:$0x3FB2] =	sst s6  }
0xf: {  	[smem:$0x3FB3] =	sst s7  }
0x10: {  	[smem:$0x3FB4] =	sst s8  }
0x11: {  	[smem:$0x3FB5] =	sst s9;
	s0 =	simm.s32 @!p0 $0x0  }
0x12: {  	s1 =	sld [smem:$0x3F9B];
	s0 =	simm.s32 @p0 $0x1  }
0x13: {  	[smem:$0x3FB6] =	sst s0;
	s0 =	simm.s32 @!p1 $0x0  }
0x14: {  	s2 =	sld [smem:$0x3F9A];
	s0 =	simm.s32 @p1 $0x1  }
0x15: {  	[smem:$0x3FB7] =	sst s0;
	s0 =	simm.s32 @!p2 $0x0  }
0x16: {  	s3 =	sld [smem:$0x3FDB];
	s0 =	simm.s32 @p2 $0x1  }
0x17: {  	s4 =	simm.s32 $0x1BF5;
	[smem:$0x3FB9] =	sst s0  }
0x18: {  	s0 =	sld [smem:$0x3F9C];
	_ =	swait.ge [sflag:s4], $0x0  }
0x19: {  	s7 =	sld [smem:$0x3F9D]  }
0x1a: {  	s8 =	sadd.s32 $0xFFFFE003, lr  }
0x1b: {  	s9 =	sadd.s32 $0xFFFFFEF7, lr;
	s5 =	simm.s32 $0xFFFFFFFF;
	p2 =	slt.u32 s8, $0xFFFFF086  }
0x1c: {  	p1 =	slt.u32 s9, $0xF7A;
	s5 =	simm.s32 @!p2 $0x0  }
0x1d: {  	s5 =	simm.s32 @p1 $0x1;
	p0 =	seq.s32 s7, s2  }
0x1e: {  	s7 =	smul.u32 @!p0 $0xF7A, s2;
	p2 =	seq.s32 @!p0 s5, $0x0  }
0x1f: {  	s9 =	smul.u32 $0xF7A, s1;
	s8 =	simm.s32 @!p0 $0x1BF5;
	p2 =	por !p2, p0  }
0x20: {  	[sflag:s8] =	ssyncset.s32 @!p0 $0xFFFFF086;
	s6 =	sadd.s32 @!p0 s3, s7;
	s7 =	simm.s32 @!p0 $0x108  }
0x21: {  	s3 =	sadd.s32 s3, s9;
	s6 =	sadd.s32 @!p0 $0x88, s6;
	s7 =	simm.s32 @p2 $0x1082  }
0x22: {  	[simem:s7], [sflag:s8] =	dma.local @!p0 [hbm:s6], $0xF7A  }
0x23: {  	s9 =	sor.u32 $0xD0000000, s2;
	s6 =	simm.s32 $0x108;
	_ =	swait.ge @!p0 [sflag:s8], $0x0  }
0x24: {  	s3 =	sadd.s32 $0x88, s3;
	s6 =	simm.s32 @!p1 $0x1082;
	[sflag:s4] =	ssyncset.s32 $0xFFFFF086  }
0x25: {  	[simem:s6], [sflag:s4] =	dma.local [hbm:s3], $0xF7A  }
0x26: {  	[smem:$0x3F9D] =	sst s1;
	(tag) =	ssettag s2;
	_ =	strace s9  }
0x27: {  	s1 =	sld [smem:$0x3FAD]  }
0x28: {  	s2 =	sld [smem:$0x3FAE]  }
0x29: {  	s4 =	sld [smem:$0x3FB0]  }
0x2a: {  	p0 =	seq.s32 s5, $0x0;
	s5 =	sld [smem:$0x3FB1]  }
0x2b: {  	s6 =	sld [smem:$0x3FB2]  }
0x2c: {  	s7 =	sld [smem:$0x3FB3]  }
0x2d: {  	s3 =	simm.s32 $0x108;
	s8 =	sld [smem:$0x3FB4]  }
0x2e: {  	s3 =	simm.s32 @!p0 $0x1082;
	s9 =	sld [smem:$0x3FB5]  }
0x2f: {  	lr =	sadd.s32 s0, s3;
	s0 =	sld [smem:$0x3FAC]  }
0x30: {  	s3 =	sld [smem:$0x3FAF]  }
0x31: {  	[smem:$0x3FB8] =	sst s10  }
0x32: {  	s10 =	sld [smem:$0x3FB6];
	_ =	sdelay $0x3  }
0x33: {  	p0 =	seq.s32 s10, $0x1;
	s10 =	sld [smem:$0x3FB8];
	_ =	sdelay $0x3  }
0x34: {  	[smem:$0x3FB8] =	sst s10  }
0x35: {  	s10 =	sld [smem:$0x3FB7];
	_ =	sdelay $0x3  }
0x36: {  	p1 =	seq.s32 s10, $0x1;
	s10 =	sld [smem:$0x3FB8];
	_ =	sdelay $0x3  }
0x37: {  	[smem:$0x3FB8] =	sst s10  }
0x38: {  	s10 =	sld [smem:$0x3FB9]  }
0x39: {  	_ = 	snop;
	(pc) =	sbr.ind lr, $3  }
0x3a: {  	_ = 	snop  }
0x3b: {  	_ = 	snop  }
0x3c: {  	p2 =	seq.s32 s10, $0x1;
	s10 =	sld [smem:$0x3FB8]  }
0x3d: {  	_ =	shalt  }
0x3e: {  	_ =	shalt  }
0x3f: {  	_ =	shalt  }
0x40: {  	_ =	shalt  }
0x41: {  	_ =	shalt  }
0x42: {  	_ =	shalt  }
0x43: {  	_ =	shalt  }
0x44: {  	_ =	shalt  }
0x45: {  	_ =	shalt  }
0x46: {  	_ =	shalt  }
0x47: {  	_ =	shalt  }
0x48: {  	_ =	shalt  }
0x49: {  	_ =	shalt  }
0x4a: {  	_ =	shalt  }
0x4b: {  	_ =	shalt  }
0x4c: {  	_ =	shalt  }
0x4d: {  	_ =	shalt  }
0x4e: {  	_ =	shalt  }
0x4f: {  	_ =	shalt  }
0x50: {  	_ =	shalt  }
0x51: {  	_ =	shalt  }
0x52: {  	_ =	shalt  }
0x53: {  	_ =	shalt  }
0x54: {  	_ =	shalt  }
0x55: {  	_ =	shalt  }
0x56: {  	_ =	shalt  }
0x57: {  	_ =	shalt  }
0x58: {  	_ =	shalt  }
0x59: {  	_ =	shalt  }
0x5a: {  	_ =	shalt  }
0x5b: {  	_ =	shalt  }
0x5c: {  	_ =	shalt  }
0x5d: {  	_ =	shalt  }
0x5e: {  	_ =	shalt  }
0x5f: {  	_ =	shalt  }
0x60: {  	_ =	shalt  }
0x61: {  	_ =	shalt  }
0x62: {  	_ =	shalt  }
0x63: {  	_ =	shalt  }
0x64: {  	_ =	shalt  }
0x65: {  	_ =	shalt  }
0x66: {  	_ =	shalt  }
0x67: {  	_ =	shalt  }
0x68: {  	_ =	shalt  }
0x69: {  	_ =	shalt  }
0x6a: {  	_ =	shalt  }
0x6b: {  	_ =	shalt  }
0x6c: {  	_ =	shalt  }
0x6d: {  	_ =	shalt  }
0x6e: {  	_ =	shalt  }
0x6f: {  	_ =	shalt  }
0x70: {  	_ =	shalt  }
0x71: {  	_ =	shalt  }
0x72: {  	_ =	shalt  }
0x73: {  	_ =	shalt  }
0x74: {  	_ =	shalt  }
0x75: {  	_ =	shalt  }
0x76: {  	_ =	shalt  }
0x77: {  	_ =	shalt  }
0x78: {  	_ =	shalt  }
0x79: {  	_ =	shalt  }
0x7a: {  	_ =	shalt  }
0x7b: {  	_ =	shalt  }
0x7c: {  	_ =	shalt  }
0x7d: {  	_ =	shalt  }
0x7e: {  	_ =	shalt  }
0x7f: {  	_ =	shalt  }
0x80: {  	_ =	shalt  }
0x81: {  	_ =	shalt  }
0x82: {  	_ =	shalt  }
0x83: {  	_ =	shalt  }
0x84: {  	_ =	shalt  }
0x85: {  	_ =	shalt  }
0x86: {  	_ =	shalt  }
0x87: {  	_ =	shalt  }
.Lfunc_end0:
.L_simem_size_0:
called_computation_lowered:
.L_overlay_start_0:
0x88: {  	s2 =	sld [smem:$0x3FD9]  }
0x89: {  	s3 =	sld [smem:$0x3FFE];
	_ =	sdelay $0x1  }
0x8a: {  	s1 =	srdreg.scid  }
0x8b: {  	s0 =	sand.u32 $0x1, s1  }
0x8c: {  	s17 =	sshll.u32 s0, $0xA;
	s2 =	sadd.s32 s3, s2  }
0x8d: {  	s2 =	sadd.s32 s2, s17  }
0x8e: {  	[smem:$0x3FC4] =	sst s2  }
0x8f: {  	_ = 	snop  }
0x90: {  	s2 =	sld [smem:$0x3FC9];
	(tm) =	ssettm $0x1  }
0x91: {  	s18 =	sld [smem:$0x3FFB];
	_ =	sdelay $0x3  }
0x92: {  	_ =	strace s18  }
0x93: {  	s3 =	sld [smem:$0x3FFC];
	_ =	sdelay $0x3  }
0x94: {  	_ =	strace s3  }
0x95: {  	s3 =	sld [smem:$0x3FFD];
	_ =	sdelay $0x3  }
0x96: {  	_ =	strace s3  }
0x97: {  	_ =	strace $0x8FFFFFFF  }
0x98: {  	s19 =	sld [smem:$0x3FDB];
	_ =	sdelay $0x1  }
0x99: {  	s4 =	simm.s32 $_scs_section_size  }
0x9a: {  	s5 =	simm.s32 $_size__tile_overlayer_lowered;
	s6 =	simm.s32 $_tile_overlayer_lowered  }
0x9b: {  	s22 =	simm.s32 $0x1BFF;
	s21 =	sshll.u32 s6, $0x1;
	s3 =	sadd.s32 s4, s19  }
0x9c: {  	s7 =	simm.s32 $0x0;
	s20 =	sshll.u32 s5, $0x1;
	s5 =	sadd.s32 s21, s3  }
0x9d: {  	[timem:s7], [sflag:s22] =	dma.local [hbm:s5], s20  }
0x9e: {  	_ =	swait.ge [sflag:s22], s20  }
0x9f: {  	s4 =	ssub.s32 $0x0, s20;
	[sflag:s22] =	ssyncset.done $0x0  }
0xa0: {  	[sflag:s22] =	ssyncadd.s32 s4;
	_ =	sdelay $0x1  }
0xa1: {  	s23 =	simm.s32 $0x1B8B  }
0xa2: {  	_ =	swait.ge [sflag:s23], $0x1  }
0xa3: {  	[sflag:s23] =	ssyncset.done $0x0  }
0xa4: {  	s25 =	simm.s32 $0x1B8E;
	s24 =	sld [smem:$0x3FFE];
	[sflag:s23] =	ssyncadd.s32 $0xFFFFFFFF  }
0xa5: {  	s26 =	simm.s32 $execute0_lowered;
	[smem:$0x3FD2] =	sst s25  }
0xa6: {  	s5 =	sshll.u32 s26, $0x1;
	_ =	strace $0x80000046;
	[dreg:$0x1] =	wrdreg $0xFFFFFFFF  }
0xa7: {  	s28 =	simm.s32 $_size_execute0_lowered;
	s3 =	sadd.s32 s3, s5;
	[dreg:$0x0] =	wrdreg $0x0  }
0xa8: {  	s5 =	sshll.u32 s28, $0x1;
	[dreg:$0x2] =	wrdreg s3  }
0xa9: {  	[dreg:$0x3] =	wrdreg s5  }
0xaa: {  	[dreg:$0x4] =	wrdreg $0xC0  }
0xab: {  	_ =	task [dreg:s7], $0x5FFFF  }
0xac: {  	[dreg:$0x1] =	wrdreg $0xFFFFFFFF  }
0xad: {  	[dreg:$0x0] =	wrdreg $0x60  }
0xae: {  	[dreg:$0x2] =	wrdreg s2  }
0xaf: {  	[dreg:$0x3] =	wrdreg s24  }
0xb0: {  	[dreg:$0x4] =	wrdreg $0x9  }
0xb1: {  	_ =	task.clear_ibuf [dreg:s7], $0x5FFFF;
	_ =	strace $0x90000046  }
0xb2: {  	s29 =	simm.s32 $0x9;
	_ =	strace $0x80000048  }
0xb3: {  	_ =	swait.ge [sflag:s29], $0x1  }
0xb4: {  	[sflag:s29] =	ssyncadd.s32 $0xFFFFFFFF  }
0xb5: {  	_ =	strace $0x90000048  }
0xb6: {  	_ =	sfence  }
0xb7: {  	s30 =	sld [smem:$0x0];
	_ =	sdelay $0x2  }
0xb8: {  	s31 =	sshll.u32 s1, $0xD;
	s1 =	sshrl.u32 s1, $0x2  }
0xb9: {  	s3 =	sand.u32 $0x4000, s31;
	s1 =	sadd.s32 s1, s30  }
0xba: {  	s0 =	sor.u32 s3, s0;
	s1 =	sshll.u32 s1, $0x11  }
0xbb: {  	s0 =	sor.u32 s1, s0  }
0xbc: {  	s0 =	sadd.s32 $0x8F2B, s0  }
0xbd: {  	[sflag:s0] =	ssyncadd.remote.s32 $0x1  }
0xbe: {  	_ =	sfence.sel $0xFFFF  }
0xbf: {  	[dreg:$0x0] =	wrdreg $0xFFFFFFFF;
	(pc) =	sbr.abs _section_cstart, $3  }
0xc0: {  	[dreg:$0x1] =	wrdreg $0xFFFFFFFF  }
0xc1: {  	_ =	task.clear_ibuf [dreg:s7], $0x2FFFF;
	_ =	strace $0x9FFFFFFF  }
0xc2: {  	(tm) =	ssettm $0x7FFFFFFF  }
0xc3: {  	_ =	shalt  }
tec
execute0_lowered:
.L_overlay_start_1:
0x0: {  	(tag) =	ssettag $0x1  }
0x1: {  	s1 =	srdreg.scid  }
0x2: {  	s3 =	rddreg [dreg:$0x0];
	s0 =	stileid.u32  }
0x3: {  	s5 =	rddreg [dreg:$0x1];
	s2 =	simm.s32 $0x0;
	s8 =	simm.s32 $0x80  }
0x4: {  	s26 =	simm.s32 $0x880;
	s9 =	simm.s32 $0x1080;
	s10 =	simm.s32 $0x1880  }
0x5: {  	s11 =	simm.s32 $0x2080;
	s12 =	simm.s32 $0x2880;
	s13 =	simm.s32 $0x3080  }
0x6: {  	s14 =	simm.s32 $0x3880;
	s15 =	simm.s32 $0x4080;
	s16 =	simm.s32 $0x4880  }
0x7: {  	s17 =	simm.s32 $0x5080;
	s18 =	simm.s32 $0x5880;
	s19 =	simm.s32 $0x6080  }
0x8: {  	s20 =	simm.s32 $0x6880;
	s21 =	simm.s32 $0x7080;
	s22 =	simm.s32 $0x7880  }
0x9: {  	s23 =	simm.s32 $0x8080;
	s24 =	simm.s32 $0x8880;
	s25 =	simm.s32 $0x9080  }
0xa: {  	s28 =	simm.s32 $0xA080;
	s29 =	simm.s32 $0xA880;
	s30 =	simm.s32 $0xB080  }
0xb: {  	s31 =	simm.s32 $0xB880;
	s1 =	sand.u32 $0x1, s1;
	[smem:$0x7FF] =	sst s2  }
0xc: {  	s4 =	sshll.u32 s0, $0x4;
	s6 =	sshll.u32 s1, $0x3;
	_ =	strace $0x80000047  }
0xd: {  	s1 =	ssub.s32 $0x2, s1;
	[dreg:$0x5] =	wrdreg s26;
	s4 =	sor.u32 s6, s4  }
0xe: {  	s7 =	sshrl.u32 s1, $0x1;
	s6 =	sadd.s32 s4, s5;
	s4 =	smul.u32 $0x300, s4  }
0xf: {  	s26 =	simm.s32 $0x9880;
	s1 =	ssub.s32 s1, s7;
	s6 =	sadd.s32 $0x600, s6  }
0x10: {  	v2 =	vlaneseq.u32;
	s7 =	simm.s32 $0x2;
	[dreg:$0x3] =	wrdreg s6;
	s4 =	sadd.s32 s3, s4  }
0x11: {  	vm0 =	vmmov $0xffff;
	v1 =	vshrl.u32 v2, $0x3;
	s3 =	sadd.s32 $0x800, s5;
	s6 =	smax.u32 s1, $0x1;
	s1 =	simm.s32 $0x1  }
0x12: {  	v0 =	vand.u32 $0x7, v2;
	v2 =	vor.u32 $0x8, v2;
	v1 =	vmul.u32 $0x8, v1;
	[dreg:$0x4] =	wrdreg s4;
	s4 =	sadd.s32 $0x900, s5;
	s5 =	sadd.s32 $0xA00, s5  }
.LBB2_1:
0x13: {  	s0 =	rddreg [dreg:$0x3]  }
0x14: {  	[tilespmem:s2], [sflag:$0x2] =	stream.linear.gather [hbm4b:s0+s2], $0x40, $0x38;
	[tilespmem:$0xC080] =	vst v63  }
0x15: {  	_ =	swait.ge [sflag:s7], $0x40  }
0x16: {  	[sflag:s7] =	ssyncset.done $0x0  }
0x17: {  	s0 =	rddreg [dreg:$0x4];
	[sflag:s7] =	ssyncadd.s32 $0xFFFFFFC0  }
0x18: {  	[tilespmem:s8], [sflag:$0x2] =	stream.linear.gather [hbm4b:s0+s2], $0xC000, $0x38;
	[tilespmem:$0xC080] =	vst v63  }
0x19: {  	_ =	swait.ge [sflag:s7], $0xC000  }
0x1a: {  	[sflag:s7] =	ssyncset.done $0x0  }
0x1b: {  	[sflag:s7] =	ssyncadd.s32 $0xFFFF4000  }
0x1c: {  	v3 =	vld [tilespmem:$0x0];
	_ =	sdelay $0x4  }
0x1d: {  	v4 =	vshrl.u32 v3, $0x3  }
0x1e: {  	v4 =	vmul.u32 $0x30, v4  }
0x1f: {  	v3 =	vand.u32 $0x7, v3  }
0x20: {  	v3 =	vor.u32 v3, v4  }
0x21: {  	v4 =	vperm.xlane v3, v0;
	_ =	sdelay $0x1  }
0x22: {  	v4 =	vadd.s32 v1, v4;
	_ =	sdelay $0x3  }
0x23: {  	v3 =	vperm.xlane v3, v2  }
0x24: {  	[hbm4b:s3+s2] =	stream.indirect_vreg.scatter [tilespmem:s8], [sflag:$0x1], $0x80, v4, vm0, $0xb8;
	[tilespmem:$0xC080] =	vst v63  }
0x25: {  	s0 =	rddreg [dreg:$0x5];
	v3 =	vadd.s32 v1, v3  }
0x26: {  	[hbm4b:s4+s2] =	stream.indirect_vreg.scatter [tilespmem:s0], [sflag:$0x1], $0x80, v4, vm0, $0xb8;
	[tilespmem:$0xC080] =	vst v63  }
0x27: {  	_ = 	snop  }
0x28: {  	[hbm4b:s5+s2] =	stream.indirect_vreg.scatter [tilespmem:s9], [sflag:$0x1], $0x80, v4, vm0, $0xb8;
	[tilespmem:$0xC080] =	vst v63  }
0x29: {  	_ = 	snop  }
0x2a: {  	[hbm4b:s3+s2] =	stream.indirect_vreg.scatter [tilespmem:s10], [sflag:$0x1], $0x80, v3, vm0, $0xb8;
	[tilespmem:$0xC080] =	vst v63  }
0x2b: {  	_ = 	snop  }
0x2c: {  	[hbm4b:s4+s2] =	stream.indirect_vreg.scatter [tilespmem:s11], [sflag:$0x1], $0x80, v3, vm0, $0xb8;
	[tilespmem:$0xC080] =	vst v63  }
0x2d: {  	_ = 	snop  }
0x2e: {  	[hbm4b:s5+s2] =	stream.indirect_vreg.scatter [tilespmem:s12], [sflag:$0x1], $0x80, v3, vm0, $0xb8;
	[tilespmem:$0xC080] =	vst v63  }
0x2f: {  	v3 =	vld [tilespmem:$0x10];
	_ =	sdelay $0x4  }
0x30: {  	v61 =	vshrl.u32 v3, $0x3  }
0x31: {  	v4 =	vmul.u32 $0x30, v61  }
0x32: {  	v3 =	vand.u32 $0x7, v3  }
0x33: {  	v3 =	vor.u32 v3, v4  }
0x34: {  	v4 =	vperm.xlane v3, v0;
	_ =	sdelay $0x1  }
0x35: {  	v4 =	vadd.s32 v1, v4;
	_ =	sdelay $0x3  }
0x36: {  	v3 =	vperm.xlane v3, v2  }
0x37: {  	[hbm4b:s3+s2] =	stream.indirect_vreg.scatter [tilespmem:s13], [sflag:$0x1], $0x80, v4, vm0, $0xb8;
	[tilespmem:$0xC080] =	vst v63  }
0x38: {  	v3 =	vadd.s32 v1, v3  }
0x39: {  	[hbm4b:s4+s2] =	stream.indirect_vreg.scatter [tilespmem:s14], [sflag:$0x1], $0x80, v4, vm0, $0xb8;
	[tilespmem:$0xC080] =	vst v63  }
0x3a: {  	_ = 	snop  }
0x3b: {  	[hbm4b:s5+s2] =	stream.indirect_vreg.scatter [tilespmem:s15], [sflag:$0x1], $0x80, v4, vm0, $0xb8;
	[tilespmem:$0xC080] =	vst v63  }
0x3c: {  	_ = 	snop  }
0x3d: {  	[hbm4b:s3+s2] =	stream.indirect_vreg.scatter [tilespmem:s16], [sflag:$0x1], $0x80, v3, vm0, $0xb8;
	[tilespmem:$0xC080] =	vst v63  }
0x3e: {  	_ = 	snop  }
0x3f: {  	[hbm4b:s4+s2] =	stream.indirect_vreg.scatter [tilespmem:s17], [sflag:$0x1], $0x80, v3, vm0, $0xb8;
	[tilespmem:$0xC080] =	vst v63  }
0x40: {  	_ = 	snop  }
0x41: {  	[hbm4b:s5+s2] =	stream.indirect_vreg.scatter [tilespmem:s18], [sflag:$0x1], $0x80, v3, vm0, $0xb8;
	[tilespmem:$0xC080] =	vst v63  }
0x42: {  	v3 =	vld [tilespmem:$0x20];
	_ =	sdelay $0x4  }
0x43: {  	v62 =	vshrl.u32 v3, $0x3  }
0x44: {  	v4 =	vmul.u32 $0x30, v62  }
0x45: {  	v3 =	vand.u32 $0x7, v3  }
0x46: {  	v3 =	vor.u32 v3, v4  }
0x47: {  	v4 =	vperm.xlane v3, v0;
	_ =	sdelay $0x1  }
0x48: {  	v4 =	vadd.s32 v1, v4;
	_ =	sdelay $0x3  }
0x49: {  	v3 =	vperm.xlane v3, v2  }
0x4a: {  	[hbm4b:s3+s2] =	stream.indirect_vreg.scatter [tilespmem:s19], [sflag:$0x1], $0x80, v4, vm0, $0xb8;
	[tilespmem:$0xC080] =	vst v63  }
0x4b: {  	v3 =	vadd.s32 v1, v3  }
0x4c: {  	[hbm4b:s4+s2] =	stream.indirect_vreg.scatter [tilespmem:s20], [sflag:$0x1], $0x80, v4, vm0, $0xb8;
	[tilespmem:$0xC080] =	vst v63  }
0x4d: {  	_ = 	snop  }
0x4e: {  	[hbm4b:s5+s2] =	stream.indirect_vreg.scatter [tilespmem:s21], [sflag:$0x1], $0x80, v4, vm0, $0xb8;
	[tilespmem:$0xC080] =	vst v63  }
0x4f: {  	_ = 	snop  }
0x50: {  	[hbm4b:s3+s2] =	stream.indirect_vreg.scatter [tilespmem:s22], [sflag:$0x1], $0x80, v3, vm0, $0xb8;
	[tilespmem:$0xC080] =	vst v63  }
0x51: {  	_ = 	snop  }
0x52: {  	[hbm4b:s4+s2] =	stream.indirect_vreg.scatter [tilespmem:s23], [sflag:$0x1], $0x80, v3, vm0, $0xb8;
	[tilespmem:$0xC080] =	vst v63  }
0x53: {  	_ = 	snop  }
0x54: {  	[hbm4b:s5+s2] =	stream.indirect_vreg.scatter [tilespmem:s24], [sflag:$0x1], $0x80, v3, vm0, $0xb8;
	[tilespmem:$0xC080] =	vst v63  }
0x55: {  	v3 =	vld [tilespmem:$0x30];
	_ =	sdelay $0x4  }
0x56: {  	v63 =	vshrl.u32 v3, $0x3  }
0x57: {  	v4 =	vmul.u32 $0x30, v63  }
0x58: {  	v3 =	vand.u32 $0x7, v3  }
0x59: {  	v3 =	vor.u32 v3, v4  }
0x5a: {  	v4 =	vperm.xlane v3, v0;
	_ =	sdelay $0x1  }
0x5b: {  	v4 =	vadd.s32 v1, v4;
	_ =	sdelay $0x3  }
0x5c: {  	v3 =	vperm.xlane v3, v2  }
0x5d: {  	[hbm4b:s3+s2] =	stream.indirect_vreg.scatter [tilespmem:s25], [sflag:$0x1], $0x80, v4, vm0, $0xb8;
	[tilespmem:$0xC080] =	vst v63  }
0x5e: {  	v3 =	vadd.s32 v1, v3  }
0x5f: {  	[hbm4b:s4+s2] =	stream.indirect_vreg.scatter [tilespmem:s26], [sflag:$0x1], $0x80, v4, vm0, $0xb8;
	[tilespmem:$0xC080] =	vst v63  }
0x60: {  	_ = 	snop  }
0x61: {  	[hbm4b:s5+s2] =	stream.indirect_vreg.scatter [tilespmem:s28], [sflag:$0x1], $0x80, v4, vm0, $0xb8;
	[tilespmem:$0xC080] =	vst v63  }
0x62: {  	_ = 	snop  }
0x63: {  	[hbm4b:s3+s2] =	stream.indirect_vreg.scatter [tilespmem:s29], [sflag:$0x1], $0x80, v3, vm0, $0xb8;
	[tilespmem:$0xC080] =	vst v63  }
0x64: {  	p0 =	sne.s32 s6, $0x1  }
0x65: {  	[hbm4b:s4+s2] =	stream.indirect_vreg.scatter [tilespmem:s30], [sflag:$0x1], $0x80, v3, vm0, $0xb8;
	[tilespmem:$0xC080] =	vst v63  }
.Ltmp0:
0x66: {  	_ = 	snop;
	(pc) =	sbr.rel @p0 .LBB2_1-.Ltmp0, $4  }
0x67: {  	[hbm4b:s5+s2] =	stream.indirect_vreg.scatter [tilespmem:s31], [sflag:$0x1], $0x80, v3, vm0, $0xb8;
	[tilespmem:$0xC080] =	vst v63  }
0x68: {  	_ =	swait.ge [sflag:s1], $0xC000  }
0x69: {  	[sflag:s1] =	ssyncset.done $0x0  }
0x6a: {  	s6 =	sadd.s32 $0xFFFFFFFF, s6;
	[sflag:s1] =	ssyncadd.s32 $0xFFFF4000  }
0x6b: {  	_ =	sfence.sel $0x180000  }
0x6c: {  	[bflag:$0x0] =	sbarrier.arrive $0xFFFF  }
0x6d: {  	_ =	strace $0x90000047  }
0x6e: {  	s0 =	stileid.u32;
	[bflag:$0x2] =	sbarrier.arrive $0xFFFF  }
0x6f: {  	p0 =	sne.s32 s0, $0x0;
	s0 =	rddreg [dreg:$0x2]  }
0x70: {  	s0 =	sadd.s32 @!p0 $0x100000, s0  }
0x71: {  	[sflag:s0] =	ssyncadd.tile.s32 @!p0 $0x1;
	_ =	shalt  }
.Lfunc_end2:
_tile_overlayer_lowered:
.L_overlay_start_2:
0x72: {  	(tag) =	ssettag $0x2  }
0x73: {  	s0 =	rddreg [dreg:$0x0];
	s2 =	stileid.u32  }
0x74: {  	s1 =	rddreg [dreg:$0x1];
	p0 =	sne.s32 s2, $0x0  }
0x75: {  	s3 =	rddreg [dreg:$0x2];
	[bflag:$0x3] =	sbarrier.arrive $0xFFFF;
	s2 =	simm.s32 @!p0 $0x1C02  }
0x76: {  	[timem:s3], [sflag:s2] =	dma.local @!p0 [hbm:s0], s1  }
0x77: {  	s0 =	simm.s32 @!p0 $0x2  }
0x78: {  	_ =	swait.ge @!p0 [sflag:s0], s1  }
0x79: {  	s1 =	ssub.s32 @!p0 $0x0, s1;
	[sflag:s0] =	ssyncset.done @!p0 $0x0  }
0x7a: {  	[sflag:s0] =	ssyncadd.s32 @!p0 s1  }
0x7b: {  	[bflag:$0x3] =	sbarrier.arrive $0xFFFF  }
0x7c: {  	_ =	shalt  }

// kernel: kernel.9.cloned.1.call-start
scs
__scs_entry_jumppad:
0x0: {  	(pc) =	sbr.rel $0x88, $3  }
0x1: {  	(tag) =	ssettag $0x0;
	lr =	simm.s32 $0x1  }
0x2: {  	[smem:$0x3F9D] =	sst lr;
	_ =	strace $0xD0000000  }
0x3: {  	_ = 	snop  }
0x4: {  	_ = 	snop  }
0x5: {  	_ = 	snop  }
0x6: {  	_ = 	snop  }
0x7: {  	_ = 	snop  }
__scs_overlays_trampoline_lowered:
0x8: {  	[smem:$0x3FAC] =	sst s0  }
0x9: {  	[smem:$0x3FAD] =	sst s1  }
0xa: {  	[smem:$0x3FAE] =	sst s2  }
0xb: {  	[smem:$0x3FAF] =	sst s3  }
0xc: {  	[smem:$0x3FB0] =	sst s4  }
0xd: {  	[smem:$0x3FB1] =	sst s5  }
0xe: {  	[smem:$0x3FB2] =	sst s6  }
0xf: {  	[smem:$0x3FB3] =	sst s7  }
0x10: {  	[smem:$0x3FB4] =	sst s8  }
0x11: {  	[smem:$0x3FB5] =	sst s9;
	s0 =	simm.s32 @!p0 $0x0  }
0x12: {  	s1 =	sld [smem:$0x3F9B];
	s0 =	simm.s32 @p0 $0x1  }
0x13: {  	[smem:$0x3FB6] =	sst s0;
	s0 =	simm.s32 @!p1 $0x0  }
0x14: {  	s2 =	sld [smem:$0x3F9A];
	s0 =	simm.s32 @p1 $0x1  }
0x15: {  	[smem:$0x3FB7] =	sst s0;
	s0 =	simm.s32 @!p2 $0x0  }
0x16: {  	s3 =	sld [smem:$0x3FDB];
	s0 =	simm.s32 @p2 $0x1  }
0x17: {  	s4 =	simm.s32 $0x1BF5;
	[smem:$0x3FB9] =	sst s0  }
0x18: {  	s0 =	sld [smem:$0x3F9C];
	_ =	swait.ge [sflag:s4], $0x0  }
0x19: {  	s7 =	sld [smem:$0x3F9D]  }
0x1a: {  	s8 =	sadd.s32 $0xFFFFE003, lr  }
0x1b: {  	s9 =	sadd.s32 $0xFFFFFEF7, lr;
	s5 =	simm.s32 $0xFFFFFFFF;
	p2 =	slt.u32 s8, $0xFFFFF086  }
0x1c: {  	p1 =	slt.u32 s9, $0xF7A;
	s5 =	simm.s32 @!p2 $0x0  }
0x1d: {  	s5 =	simm.s32 @p1 $0x1;
	p0 =	seq.s32 s7, s2  }
0x1e: {  	s7 =	smul.u32 @!p0 $0xF7A, s2;
	p2 =	seq.s32 @!p0 s5, $0x0  }
0x1f: {  	s9 =	smul.u32 $0xF7A, s1;
	s8 =	simm.s32 @!p0 $0x1BF5;
	p2 =	por !p2, p0  }
0x20: {  	[sflag:s8] =	ssyncset.s32 @!p0 $0xFFFFF086;
	s6 =	sadd.s32 @!p0 s3, s7;
	s7 =	simm.s32 @!p0 $0x108  }
0x21: {  	s3 =	sadd.s32 s3, s9;
	s6 =	sadd.s32 @!p0 $0x88, s6;
	s7 =	simm.s32 @p2 $0x1082  }
0x22: {  	[simem:s7], [sflag:s8] =	dma.local @!p0 [hbm:s6], $0xF7A  }
0x23: {  	s9 =	sor.u32 $0xD0000000, s2;
	s6 =	simm.s32 $0x108;
	_ =	swait.ge @!p0 [sflag:s8], $0x0  }
0x24: {  	s3 =	sadd.s32 $0x88, s3;
	s6 =	simm.s32 @!p1 $0x1082;
	[sflag:s4] =	ssyncset.s32 $0xFFFFF086  }
0x25: {  	[simem:s6], [sflag:s4] =	dma.local [hbm:s3], $0xF7A  }
0x26: {  	[smem:$0x3F9D] =	sst s1;
	(tag) =	ssettag s2;
	_ =	strace s9  }
0x27: {  	s1 =	sld [smem:$0x3FAD]  }
0x28: {  	s2 =	sld [smem:$0x3FAE]  }
0x29: {  	s4 =	sld [smem:$0x3FB0]  }
0x2a: {  	p0 =	seq.s32 s5, $0x0;
	s5 =	sld [smem:$0x3FB1]  }
0x2b: {  	s6 =	sld [smem:$0x3FB2]  }
0x2c: {  	s7 =	sld [smem:$0x3FB3]  }
0x2d: {  	s3 =	simm.s32 $0x108;
	s8 =	sld [smem:$0x3FB4]  }
0x2e: {  	s3 =	simm.s32 @!p0 $0x1082;
	s9 =	sld [smem:$0x3FB5]  }
0x2f: {  	lr =	sadd.s32 s0, s3;
	s0 =	sld [smem:$0x3FAC]  }
0x30: {  	s3 =	sld [smem:$0x3FAF]  }
0x31: {  	[smem:$0x3FB8] =	sst s10  }
0x32: {  	s10 =	sld [smem:$0x3FB6];
	_ =	sdelay $0x3  }
0x33: {  	p0 =	seq.s32 s10, $0x1;
	s10 =	sld [smem:$0x3FB8];
	_ =	sdelay $0x3  }
0x34: {  	[smem:$0x3FB8] =	sst s10  }
0x35: {  	s10 =	sld [smem:$0x3FB7];
	_ =	sdelay $0x3  }
0x36: {  	p1 =	seq.s32 s10, $0x1;
	s10 =	sld [smem:$0x3FB8];
	_ =	sdelay $0x3  }
0x37: {  	[smem:$0x3FB8] =	sst s10  }
0x38: {  	s10 =	sld [smem:$0x3FB9]  }
0x39: {  	_ = 	snop;
	(pc) =	sbr.ind lr, $3  }
0x3a: {  	_ = 	snop  }
0x3b: {  	_ = 	snop  }
0x3c: {  	p2 =	seq.s32 s10, $0x1;
	s10 =	sld [smem:$0x3FB8]  }
0x3d: {  	_ =	shalt  }
0x3e: {  	_ =	shalt  }
0x3f: {  	_ =	shalt  }
0x40: {  	_ =	shalt  }
0x41: {  	_ =	shalt  }
0x42: {  	_ =	shalt  }
0x43: {  	_ =	shalt  }
0x44: {  	_ =	shalt  }
0x45: {  	_ =	shalt  }
0x46: {  	_ =	shalt  }
0x47: {  	_ =	shalt  }
0x48: {  	_ =	shalt  }
0x49: {  	_ =	shalt  }
0x4a: {  	_ =	shalt  }
0x4b: {  	_ =	shalt  }
0x4c: {  	_ =	shalt  }
0x4d: {  	_ =	shalt  }
0x4e: {  	_ =	shalt  }
0x4f: {  	_ =	shalt  }
0x50: {  	_ =	shalt  }
0x51: {  	_ =	shalt  }
0x52: {  	_ =	shalt  }
0x53: {  	_ =	shalt  }
0x54: {  	_ =	shalt  }
0x55: {  	_ =	shalt  }
0x56: {  	_ =	shalt  }
0x57: {  	_ =	shalt  }
0x58: {  	_ =	shalt  }
0x59: {  	_ =	shalt  }
0x5a: {  	_ =	shalt  }
0x5b: {  	_ =	shalt  }
0x5c: {  	_ =	shalt  }
0x5d: {  	_ =	shalt  }
0x5e: {  	_ =	shalt  }
0x5f: {  	_ =	shalt  }
0x60: {  	_ =	shalt  }
0x61: {  	_ =	shalt  }
0x62: {  	_ =	shalt  }
0x63: {  	_ =	shalt  }
0x64: {  	_ =	shalt  }
0x65: {  	_ =	shalt  }
0x66: {  	_ =	shalt  }
0x67: {  	_ =	shalt  }
0x68: {  	_ =	shalt  }
0x69: {  	_ =	shalt  }
0x6a: {  	_ =	shalt  }
0x6b: {  	_ =	shalt  }
0x6c: {  	_ =	shalt  }
0x6d: {  	_ =	shalt  }
0x6e: {  	_ =	shalt  }
0x6f: {  	_ =	shalt  }
0x70: {  	_ =	shalt  }
0x71: {  	_ =	shalt  }
0x72: {  	_ =	shalt  }
0x73: {  	_ =	shalt  }
0x74: {  	_ =	shalt  }
0x75: {  	_ =	shalt  }
0x76: {  	_ =	shalt  }
0x77: {  	_ =	shalt  }
0x78: {  	_ =	shalt  }
0x79: {  	_ =	shalt  }
0x7a: {  	_ =	shalt  }
0x7b: {  	_ =	shalt  }
0x7c: {  	_ =	shalt  }
0x7d: {  	_ =	shalt  }
0x7e: {  	_ =	shalt  }
0x7f: {  	_ =	shalt  }
0x80: {  	_ =	shalt  }
0x81: {  	_ =	shalt  }
0x82: {  	_ =	shalt  }
0x83: {  	_ =	shalt  }
0x84: {  	_ =	shalt  }
0x85: {  	_ =	shalt  }
0x86: {  	_ =	shalt  }
0x87: {  	_ =	shalt  }
.Lfunc_end0:
.L_simem_size_0:
called_computation.1_lowered:
.L_overlay_start_0:
0x88: {  	s2 =	sld [smem:$0x3FD9]  }
0x89: {  	s3 =	sld [smem:$0x3FFE];
	_ =	sdelay $0x1  }
0x8a: {  	s1 =	srdreg.scid  }
0x8b: {  	s0 =	sand.u32 $0x1, s1  }
0x8c: {  	s17 =	sshll.u32 s0, $0xA;
	s2 =	sadd.s32 s3, s2  }
0x8d: {  	s2 =	sadd.s32 s2, s17  }
0x8e: {  	[smem:$0x3FC4] =	sst s2  }
0x8f: {  	_ = 	snop  }
0x90: {  	s2 =	sld [smem:$0x3FD0];
	(tm) =	ssettm $0x1  }
0x91: {  	s18 =	sld [smem:$0x3FFB];
	_ =	sdelay $0x3  }
0x92: {  	_ =	strace s18  }
0x93: {  	s3 =	sld [smem:$0x3FFC];
	_ =	sdelay $0x3  }
0x94: {  	_ =	strace s3  }
0x95: {  	s3 =	sld [smem:$0x3FFD];
	_ =	sdelay $0x3  }
0x96: {  	_ =	strace s3  }
0x97: {  	_ =	strace $0x8FFFFFFF  }
0x98: {  	s19 =	sld [smem:$0x3FDB];
	_ =	sdelay $0x1  }
0x99: {  	s4 =	simm.s32 $_scs_section_size  }
0x9a: {  	s5 =	simm.s32 $_size__tile_overlayer_lowered;
	s6 =	simm.s32 $_tile_overlayer_lowered  }
0x9b: {  	s22 =	simm.s32 $0x1BFF;
	s21 =	sshll.u32 s6, $0x1;
	s3 =	sadd.s32 s4, s19  }
0x9c: {  	s7 =	simm.s32 $0x0;
	s20 =	sshll.u32 s5, $0x1;
	s5 =	sadd.s32 s21, s3  }
0x9d: {  	[timem:s7], [sflag:s22] =	dma.local [hbm:s5], s20  }
0x9e: {  	_ =	swait.ge [sflag:s22], s20  }
0x9f: {  	s4 =	ssub.s32 $0x0, s20;
	[sflag:s22] =	ssyncset.done $0x0  }
0xa0: {  	[sflag:s22] =	ssyncadd.s32 s4;
	_ =	sdelay $0x1  }
0xa1: {  	s23 =	simm.s32 $0x1B8B  }
0xa2: {  	_ =	swait.ge [sflag:s23], $0x1  }
0xa3: {  	[sflag:s23] =	ssyncset.done $0x0  }
0xa4: {  	s25 =	simm.s32 $0x1B8E;
	s24 =	sld [smem:$0x3FFE];
	[sflag:s23] =	ssyncadd.s32 $0xFFFFFFFF  }
0xa5: {  	s26 =	simm.s32 $execute0_lowered;
	[smem:$0x3FD2] =	sst s25  }
0xa6: {  	s5 =	sshll.u32 s26, $0x1;
	_ =	strace $0x80000049;
	[dreg:$0x1] =	wrdreg $0xFFFFFFFF  }
0xa7: {  	s28 =	simm.s32 $_size_execute0_lowered;
	s3 =	sadd.s32 s3, s5;
	[dreg:$0x0] =	wrdreg $0x0  }
0xa8: {  	s5 =	sshll.u32 s28, $0x1;
	[dreg:$0x2] =	wrdreg s3  }
0xa9: {  	[dreg:$0x3] =	wrdreg s5  }
0xaa: {  	[dreg:$0x4] =	wrdreg $0xC0  }
0xab: {  	_ =	task [dreg:s7], $0x5FFFF  }
0xac: {  	[dreg:$0x1] =	wrdreg $0xFFFFFFFF  }
0xad: {  	[dreg:$0x0] =	wrdreg $0x60  }
0xae: {  	[dreg:$0x2] =	wrdreg s24  }
0xaf: {  	[dreg:$0x3] =	wrdreg s2  }
0xb0: {  	[dreg:$0x4] =	wrdreg $0x9  }
0xb1: {  	_ =	task.clear_ibuf [dreg:s7], $0x5FFFF;
	_ =	strace $0x90000049  }
0xb2: {  	s29 =	simm.s32 $0x9;
	_ =	strace $0x8000004B  }
0xb3: {  	_ =	swait.ge [sflag:s29], $0x1  }
0xb4: {  	[sflag:s29] =	ssyncadd.s32 $0xFFFFFFFF  }
0xb5: {  	_ =	strace $0x9000004B  }
0xb6: {  	_ =	sfence  }
0xb7: {  	s30 =	sld [smem:$0x0];
	_ =	sdelay $0x2  }
0xb8: {  	s31 =	sshll.u32 s1, $0xD;
	s1 =	sshrl.u32 s1, $0x2  }
0xb9: {  	s3 =	sand.u32 $0x4000, s31;
	s1 =	sadd.s32 s1, s30  }
0xba: {  	s0 =	sor.u32 s3, s0;
	s1 =	sshll.u32 s1, $0x11  }
0xbb: {  	s0 =	sor.u32 s1, s0  }
0xbc: {  	s0 =	sadd.s32 $0x8F2B, s0  }
0xbd: {  	[sflag:s0] =	ssyncadd.remote.s32 $0x1  }
0xbe: {  	_ =	sfence.sel $0xFFFF  }
0xbf: {  	[dreg:$0x0] =	wrdreg $0xFFFFFFFF;
	(pc) =	sbr.abs _section_cstart, $3  }
0xc0: {  	[dreg:$0x1] =	wrdreg $0xFFFFFFFF  }
0xc1: {  	_ =	task.clear_ibuf [dreg:s7], $0x2FFFF;
	_ =	strace $0x9FFFFFFF  }
0xc2: {  	(tm) =	ssettm $0x7FFFFFFF  }
0xc3: {  	_ =	shalt  }
tec
execute0_lowered:
.L_overlay_start_1:
0x0: {  	(tag) =	ssettag $0x1  }
0x1: {  	s0 =	rddreg [dreg:$0x0]  }
0x2: {  	s5 =	rddreg [dreg:$0x1];
	s3 =	srdreg.scid  }
0x3: {  	s2 =	simm.s32 $0x0;
	s1 =	stileid.u32;
	s26 =	simm.s32 $0x880  }
0x4: {  	s10 =	simm.s32 $0x1880;
	s11 =	simm.s32 $0x2080;
	s12 =	simm.s32 $0x2880  }
0x5: {  	s13 =	simm.s32 $0x3080;
	s14 =	simm.s32 $0x3880;
	s15 =	simm.s32 $0x4080  }
0x6: {  	s16 =	simm.s32 $0x4880;
	s17 =	simm.s32 $0x5080;
	s18 =	simm.s32 $0x5880  }
0x7: {  	s19 =	simm.s32 $0x6080;
	s20 =	simm.s32 $0x6880;
	s21 =	simm.s32 $0x7080  }
0x8: {  	s22 =	simm.s32 $0x7880;
	s28 =	simm.s32 $0xA080;
	s29 =	simm.s32 $0xA880  }
0x9: {  	s30 =	simm.s32 $0xB080;
	s31 =	simm.s32 $0xB880;
	s3 =	sand.u32 $0x1, s3  }
0xa: {  	[smem:$0x7FF] =	sst s2;
	s4 =	sshll.u32 s1, $0x4;
	s6 =	sshll.u32 s3, $0x3  }
0xb: {  	_ =	strace $0x8000004A;
	s23 =	ssub.s32 $0x2, s3;
	s3 =	sadd.s32 $0x800, s0  }
0xc: {  	[dreg:$0x5] =	wrdreg s26;
	s26 =	simm.s32 $0x9880;
	s4 =	sor.u32 s6, s4  }
0xd: {  	s8 =	sshrl.u32 s23, $0x1;
	s7 =	sadd.s32 s4, s0;
	s9 =	smul.u32 $0x300, s4  }
0xe: {  	s6 =	ssub.s32 s23, s8;
	s4 =	sadd.s32 $0x900, s0;
	s8 =	simm.s32 $0x80  }
0xf: {  	s23 =	simm.s32 $0x8080;
	s24 =	sadd.s32 $0x600, s7;
	s6 =	smax.u32 s6, $0x1  }
0x10: {  	v2 =	vlaneseq.u32;
	s7 =	simm.s32 $0x2;
	[dreg:$0x3] =	wrdreg s24;
	s25 =	sadd.s32 s5, s9  }
0x11: {  	vm0 =	vmmov $0xffff;
	v1 =	vshrl.u32 v2, $0x3;
	s5 =	sadd.s32 $0xA00, s0;
	s9 =	simm.s32 $0x1080;
	s24 =	simm.s32 $0x8880  }
0x12: {  	v0 =	vand.u32 $0x7, v2;
	v2 =	vor.u32 $0x8, v2;
	v1 =	vmul.u32 $0x8, v1;
	s0 =	simm.s32 $0x1;
	[dreg:$0x4] =	wrdreg s25;
	s25 =	simm.s32 $0x9080  }
.LBB2_1:
0x13: {  	s1 =	rddreg [dreg:$0x3]  }
0x14: {  	[tilespmem:s2], [sflag:$0x2] =	stream.linear.gather [hbm4b:s1+s2], $0x40, $0x38;
	[tilespmem:$0xC080] =	vst v63  }
0x15: {  	_ =	swait.ge [sflag:s7], $0x40  }
0x16: {  	[sflag:s7] =	ssyncset.done $0x0  }
0x17: {  	[sflag:s7] =	ssyncadd.s32 $0xFFFFFFC0  }
0x18: {  	v3 =	vld [tilespmem:$0x0];
	_ =	sdelay $0x4  }
0x19: {  	v4 =	vshrl.u32 v3, $0x3  }
0x1a: {  	v4 =	vmul.u32 $0x30, v4  }
0x1b: {  	v3 =	vand.u32 $0x7, v3  }
0x1c: {  	v3 =	vor.u32 v3, v4  }
0x1d: {  	v4 =	vperm.xlane v3, v0;
	_ =	sdelay $0x1  }
0x1e: {  	v4 =	vadd.s32 v1, v4;
	_ =	sdelay $0x3  }
0x1f: {  	v3 =	vperm.xlane v3, v2  }
0x20: {  	[tilespmem:s8], [sflag:$0x1] =	stream.indirect_vreg.gather [hbm4b:s3+s2], $0x80, v4, vm0, $0xb8;
	[tilespmem:$0xC080] =	vst v63  }
0x21: {  	s1 =	rddreg [dreg:$0x5];
	v3 =	vadd.s32 v1, v3  }
0x22: {  	[tilespmem:s1], [sflag:$0x1] =	stream.indirect_vreg.gather [hbm4b:s4+s2], $0x80, v4, vm0, $0xb8;
	[tilespmem:$0xC080] =	vst v63  }
0x23: {  	_ = 	snop  }
0x24: {  	[tilespmem:s9], [sflag:$0x1] =	stream.indirect_vreg.gather [hbm4b:s5+s2], $0x80, v4, vm0, $0xb8;
	[tilespmem:$0xC080] =	vst v63  }
0x25: {  	_ = 	snop  }
0x26: {  	[tilespmem:s10], [sflag:$0x1] =	stream.indirect_vreg.gather [hbm4b:s3+s2], $0x80, v3, vm0, $0xb8;
	[tilespmem:$0xC080] =	vst v63  }
0x27: {  	_ = 	snop  }
0x28: {  	[tilespmem:s11], [sflag:$0x1] =	stream.indirect_vreg.gather [hbm4b:s4+s2], $0x80, v3, vm0, $0xb8;
	[tilespmem:$0xC080] =	vst v63  }
0x29: {  	_ = 	snop  }
0x2a: {  	[tilespmem:s12], [sflag:$0x1] =	stream.indirect_vreg.gather [hbm4b:s5+s2], $0x80, v3, vm0, $0xb8;
	[tilespmem:$0xC080] =	vst v63  }
0x2b: {  	v3 =	vld [tilespmem:$0x10];
	_ =	sdelay $0x4  }
0x2c: {  	v61 =	vshrl.u32 v3, $0x3  }
0x2d: {  	v4 =	vmul.u32 $0x30, v61  }
0x2e: {  	v3 =	vand.u32 $0x7, v3  }
0x2f: {  	v3 =	vor.u32 v3, v4  }
0x30: {  	v4 =	vperm.xlane v3, v0;
	_ =	sdelay $0x1  }
0x31: {  	v4 =	vadd.s32 v1, v4;
	_ =	sdelay $0x3  }
0x32: {  	v3 =	vperm.xlane v3, v2  }
0x33: {  	[tilespmem:s13], [sflag:$0x1] =	stream.indirect_vreg.gather [hbm4b:s3+s2], $0x80, v4, vm0, $0xb8;
	[tilespmem:$0xC080] =	vst v63  }
0x34: {  	v3 =	vadd.s32 v1, v3  }
0x35: {  	[tilespmem:s14], [sflag:$0x1] =	stream.indirect_vreg.gather [hbm4b:s4+s2], $0x80, v4, vm0, $0xb8;
	[tilespmem:$0xC080] =	vst v63  }
0x36: {  	_ = 	snop  }
0x37: {  	[tilespmem:s15], [sflag:$0x1] =	stream.indirect_vreg.gather [hbm4b:s5+s2], $0x80, v4, vm0, $0xb8;
	[tilespmem:$0xC080] =	vst v63  }
0x38: {  	_ = 	snop  }
0x39: {  	[tilespmem:s16], [sflag:$0x1] =	stream.indirect_vreg.gather [hbm4b:s3+s2], $0x80, v3, vm0, $0xb8;
	[tilespmem:$0xC080] =	vst v63  }
0x3a: {  	_ = 	snop  }
0x3b: {  	[tilespmem:s17], [sflag:$0x1] =	stream.indirect_vreg.gather [hbm4b:s4+s2], $0x80, v3, vm0, $0xb8;
	[tilespmem:$0xC080] =	vst v63  }
0x3c: {  	_ = 	snop  }
0x3d: {  	[tilespmem:s18], [sflag:$0x1] =	stream.indirect_vreg.gather [hbm4b:s5+s2], $0x80, v3, vm0, $0xb8;
	[tilespmem:$0xC080] =	vst v63  }
0x3e: {  	v3 =	vld [tilespmem:$0x20];
	_ =	sdelay $0x4  }
0x3f: {  	v62 =	vshrl.u32 v3, $0x3  }
0x40: {  	v4 =	vmul.u32 $0x30, v62  }
0x41: {  	v3 =	vand.u32 $0x7, v3  }
0x42: {  	v3 =	vor.u32 v3, v4  }
0x43: {  	v4 =	vperm.xlane v3, v0;
	_ =	sdelay $0x1  }
0x44: {  	v4 =	vadd.s32 v1, v4;
	_ =	sdelay $0x3  }
0x45: {  	v3 =	vperm.xlane v3, v2  }
0x46: {  	[tilespmem:s19], [sflag:$0x1] =	stream.indirect_vreg.gather [hbm4b:s3+s2], $0x80, v4, vm0, $0xb8;
	[tilespmem:$0xC080] =	vst v63  }
0x47: {  	v3 =	vadd.s32 v1, v3  }
0x48: {  	[tilespmem:s20], [sflag:$0x1] =	stream.indirect_vreg.gather [hbm4b:s4+s2], $0x80, v4, vm0, $0xb8;
	[tilespmem:$0xC080] =	vst v63  }
0x49: {  	_ = 	snop  }
0x4a: {  	[tilespmem:s21], [sflag:$0x1] =	stream.indirect_vreg.gather [hbm4b:s5+s2], $0x80, v4, vm0, $0xb8;
	[tilespmem:$0xC080] =	vst v63  }
0x4b: {  	_ = 	snop  }
0x4c: {  	[tilespmem:s22], [sflag:$0x1] =	stream.indirect_vreg.gather [hbm4b:s3+s2], $0x80, v3, vm0, $0xb8;
	[tilespmem:$0xC080] =	vst v63  }
0x4d: {  	_ = 	snop  }
0x4e: {  	[tilespmem:s23], [sflag:$0x1] =	stream.indirect_vreg.gather [hbm4b:s4+s2], $0x80, v3, vm0, $0xb8;
	[tilespmem:$0xC080] =	vst v63  }
0x4f: {  	_ = 	snop  }
0x50: {  	[tilespmem:s24], [sflag:$0x1] =	stream.indirect_vreg.gather [hbm4b:s5+s2], $0x80, v3, vm0, $0xb8;
	[tilespmem:$0xC080] =	vst v63  }
0x51: {  	v3 =	vld [tilespmem:$0x30];
	_ =	sdelay $0x4  }
0x52: {  	v63 =	vshrl.u32 v3, $0x3  }
0x53: {  	v4 =	vmul.u32 $0x30, v63  }
0x54: {  	v3 =	vand.u32 $0x7, v3  }
0x55: {  	v3 =	vor.u32 v3, v4  }
0x56: {  	v4 =	vperm.xlane v3, v0;
	_ =	sdelay $0x1  }
0x57: {  	v4 =	vadd.s32 v1, v4;
	_ =	sdelay $0x3  }
0x58: {  	v3 =	vperm.xlane v3, v2  }
0x59: {  	[tilespmem:s25], [sflag:$0x1] =	stream.indirect_vreg.gather [hbm4b:s3+s2], $0x80, v4, vm0, $0xb8;
	[tilespmem:$0xC080] =	vst v63  }
0x5a: {  	v3 =	vadd.s32 v1, v3  }
0x5b: {  	[tilespmem:s26], [sflag:$0x1] =	stream.indirect_vreg.gather [hbm4b:s4+s2], $0x80, v4, vm0, $0xb8;
	[tilespmem:$0xC080] =	vst v63  }
0x5c: {  	_ = 	snop  }
0x5d: {  	[tilespmem:s28], [sflag:$0x1] =	stream.indirect_vreg.gather [hbm4b:s5+s2], $0x80, v4, vm0, $0xb8;
	[tilespmem:$0xC080] =	vst v63  }
0x5e: {  	_ = 	snop  }
0x5f: {  	[tilespmem:s29], [sflag:$0x1] =	stream.indirect_vreg.gather [hbm4b:s3+s2], $0x80, v3, vm0, $0xb8;
	[tilespmem:$0xC080] =	vst v63  }
0x60: {  	_ = 	snop  }
0x61: {  	[tilespmem:s30], [sflag:$0x1] =	stream.indirect_vreg.gather [hbm4b:s4+s2], $0x80, v3, vm0, $0xb8;
	[tilespmem:$0xC080] =	vst v63  }
0x62: {  	_ = 	snop  }
0x63: {  	[tilespmem:s31], [sflag:$0x1] =	stream.indirect_vreg.gather [hbm4b:s5+s2], $0x80, v3, vm0, $0xb8;
	[tilespmem:$0xC080] =	vst v63  }
0x64: {  	_ =	swait.ge [sflag:s0], $0xC000  }
0x65: {  	p0 =	sne.s32 s6, $0x1;
	[sflag:s0] =	ssyncset.done $0x0  }
.Ltmp0:
0x66: {  	s1 =	rddreg [dreg:$0x4];
	[sflag:s0] =	ssyncadd.s32 $0xFFFF4000;
	(pc) =	sbr.rel @p0 .LBB2_1-.Ltmp0, $4  }
0x67: {  	[hbm4b:s1+s2] =	stream.linear.scatter [tilespmem:s8], [sflag:$0x2], $0xC000, $0x38;
	[tilespmem:$0xC080] =	vst v63  }
0x68: {  	_ =	swait.ge [sflag:s7], $0xC000  }
0x69: {  	[sflag:s7] =	ssyncset.done $0x0  }
0x6a: {  	s6 =	sadd.s32 $0xFFFFFFFF, s6;
	[sflag:s7] =	ssyncadd.s32 $0xFFFF4000  }
0x6b: {  	_ =	sfence.sel $0x180000  }
0x6c: {  	[bflag:$0x0] =	sbarrier.arrive $0xFFFF  }
0x6d: {  	_ =	strace $0x9000004A  }
0x6e: {  	s0 =	stileid.u32;
	[bflag:$0x2] =	sbarrier.arrive $0xFFFF  }
0x6f: {  	p0 =	sne.s32 s0, $0x0;
	s0 =	rddreg [dreg:$0x2]  }
0x70: {  	s0 =	sadd.s32 @!p0 $0x100000, s0  }
0x71: {  	[sflag:s0] =	ssyncadd.tile.s32 @!p0 $0x1;
	_ =	shalt  }
.Lfunc_end2:
_tile_overlayer_lowered:
.L_overlay_start_2:
0x72: {  	(tag) =	ssettag $0x2  }
0x73: {  	s0 =	rddreg [dreg:$0x0];
	s2 =	stileid.u32  }
0x74: {  	s1 =	rddreg [dreg:$0x1];
	p0 =	sne.s32 s2, $0x0  }
0x75: {  	s3 =	rddreg [dreg:$0x2];
	[bflag:$0x3] =	sbarrier.arrive $0xFFFF;
	s2 =	simm.s32 @!p0 $0x1C02  }
0x76: {  	[timem:s3], [sflag:s2] =	dma.local @!p0 [hbm:s0], s1  }
0x77: {  	s0 =	simm.s32 @!p0 $0x2  }
0x78: {  	_ =	swait.ge @!p0 [sflag:s0], s1  }
0x79: {  	s1 =	ssub.s32 @!p0 $0x0, s1;
	[sflag:s0] =	ssyncset.done @!p0 $0x0  }
0x7a: {  	[sflag:s0] =	ssyncadd.s32 @!p0 s1  }
0x7b: {  	[bflag:$0x3] =	sbarrier.arrive $0xFFFF  }
0x7c: {  	_ =	shalt  }

</sc_bundles>
